<compile_context>
chip_gen: v7x
topology: tpu7x:2x2x1
jax: 0.10.2.dev20260603
libtpu: 0.0.44.dev20260713+nightly
codegen_flags: <defaults>
</compile_context>

<pallas_src>
import functools

import jax
import jax.numpy as jnp
from jax import lax
from jax.experimental import pallas as pl
from jax.experimental.pallas import tpu as pltpu
from jax.experimental.pallas import tpu_sc as plsc

EMB_DIM = 64
POS_DIM = 25
ENTITY_DIM = 128
N_POS = 9

NUM_CORES = 2
NUM_SUBCORES = 16
NUM_WORKERS = NUM_CORES * NUM_SUBCORES


def _sc_gather(ids_half, flat_ids, table_flat, entity_id_to_pos_index):
    n = flat_ids.shape[0]
    per_w = n // NUM_WORKERS
    chunk = 800
    n_chunks = per_w // chunk
    mesh = plsc.VectorSubcoreMesh(core_axis_name="c", subcore_axis_name="s")

    @functools.partial(
        pl.kernel,
        mesh=mesh,
        out_type=[
            jax.ShapeDtypeStruct((n, ENTITY_DIM), jnp.float32),
            jax.ShapeDtypeStruct((n,), jnp.int32),
        ],
        scratch_types=[
            pltpu.VMEM((chunk,), jnp.int32),
            pltpu.VMEM((chunk,), jnp.int32),
            pltpu.VMEM((chunk, ENTITY_DIM), jnp.float32),
            pltpu.VMEM((chunk,), jnp.int32),
            pltpu.SemaphoreType.DMA,
            pltpu.SemaphoreType.DMA,
        ],
    )
    def k(idsh_hbm, ids_hbm, table_pairs, eip_hbm, pair_out, pidx_out,
          idxh_v, idx_v, rows_v, pidx_v, sem_rows, sem_pidx):
        wid = lax.axis_index("s") * NUM_CORES + lax.axis_index("c")
        for ci in range(n_chunks):
            base = wid * per_w + ci * chunk
            pltpu.sync_copy(idsh_hbm.at[pl.ds(base, chunk)], idxh_v)
            pltpu.sync_copy(ids_hbm.at[pl.ds(base, chunk)], idx_v)
            cp_rows = pltpu.async_copy(table_pairs.at[idxh_v], rows_v, sem_rows)
            cp_pidx = pltpu.async_copy(eip_hbm.at[idx_v], pidx_v, sem_pidx)
            cp_rows.wait()
            cp_pidx.wait()
            pltpu.sync_copy(rows_v, pair_out.at[pl.ds(base, chunk)])
            pltpu.sync_copy(pidx_v, pidx_out.at[pl.ds(base, chunk)])

    return k(ids_half, flat_ids, table_flat, entity_id_to_pos_index)


def _tc_project(pair_rows, pidx, parity, we_t2, pos_head, wp_t, bias, shape):
    n = pair_rows.shape[0]
    d0, d1, d2 = shape
    blk0 = 32
    blk = blk0 * d1 * d2
    grid = d0 // blk0
    assert n % blk == 0 and d0 % blk0 == 0

    def body(pair_ref, pidx_ref, par_ref, wet2_ref, ph_ref, wpt_ref, b_ref,
             out_ref):
        pp = jnp.dot(ph_ref[...], wpt_ref[...],
                     preferred_element_type=jnp.float32)
        iota = lax.broadcasted_iota(jnp.int32, (blk, ENTITY_DIM), 1)
        oh = (pidx_ref[...] == iota).astype(jnp.float32)
        in_hi = iota >= EMB_DIM
        keep = (par_ref[...] == in_hi.astype(jnp.int32)).astype(jnp.float32)
        ent2 = pair_ref[...] * keep
        out_ref[...] = (
            jnp.dot(ent2, wet2_ref[...], preferred_element_type=jnp.float32)
            + jnp.dot(oh, pp, preferred_element_type=jnp.float32)
            + b_ref[...]
        ).reshape(blk0, d1, d2, ENTITY_DIM)

    return pl.pallas_call(
        body,
        grid=(grid,),
        in_specs=[
            pl.BlockSpec((blk, ENTITY_DIM), lambda i: (i, 0)),
            pl.BlockSpec((blk, 1), lambda i: (i, 0)),
            pl.BlockSpec((blk, 1), lambda i: (i, 0)),
            pl.BlockSpec((ENTITY_DIM, ENTITY_DIM), lambda i: (0, 0)),
            pl.BlockSpec((ENTITY_DIM, 32), lambda i: (0, 0)),
            pl.BlockSpec((32, ENTITY_DIM), lambda i: (0, 0)),
            pl.BlockSpec((1, ENTITY_DIM), lambda i: (0, 0)),
        ],
        out_specs=pl.BlockSpec((blk0, d1, d2, ENTITY_DIM),
                               lambda i: (i, 0, 0, 0)),
        out_shape=jax.ShapeDtypeStruct((d0, d1, d2, ENTITY_DIM), jnp.float32),
    )(pair_rows, pidx, parity, we_t2, pos_head, wp_t, bias)


def kernel(entity_ids, entity_table, entity_id_to_pos_index, pos_table, W, b):
    shape = entity_ids.shape
    flat_ids = entity_ids.reshape(-1)
    ids_half = flat_ids >> 1
    parity = (flat_ids & 1).reshape(-1, 1)
    table_flat = entity_table.reshape(-1, ENTITY_DIM)

    pair_rows, pidx = _sc_gather(ids_half, flat_ids, table_flat,
                                 entity_id_to_pos_index)

    we_t = W[:, :EMB_DIM].T
    we_t2 = jnp.concatenate([we_t, we_t], axis=0)
    wp_t = jnp.zeros((32, ENTITY_DIM), jnp.float32).at[:POS_DIM].set(
        W[:, EMB_DIM:].T)
    pos_head = jnp.zeros((ENTITY_DIM, 32), jnp.float32).at[:N_POS, :POS_DIM].set(
        pos_table[:N_POS])
    bias = b.reshape(1, ENTITY_DIM)

    return _tc_project(pair_rows, pidx.reshape(-1, 1), parity,
                       we_t2, pos_head, wp_t, bias, shape)

# --- scband reference (transcript-rebuilt; emitter-appended) ---
"""Pipeline reference for scband-word-net-all-embedding-66374424592578 (READ-ONLY COPY).

The authoritative reference and input builder live on the scoring server;
editing this copy changes nothing except your own understanding.
"""

import jax, jax.numpy as jnp
import numpy as np

VOCAB = 1000000
EMB_DIM = 64
POS_DIM = 25
ENTITY_DIM = 128
N_POS = 9


def setup_inputs(seed: int = 0) -> dict:
    key = jax.random.key(seed)
    k1, k2, k3, k4, k5 = jax.random.split(key, 5)
    entity_ids = jax.random.randint(k1, (1024, 20, 5), 0, VOCAB, dtype=jnp.int32)
    # pretrained entity embedding table (padding_idx=0 row zeroed)
    entity_table = jax.random.normal(k2, (VOCAB, EMB_DIM), dtype=jnp.float32) * 0.02
    entity_table = entity_table.at[0].set(0.0)
    # buffer mapping entity id -> POS index in [0, 9)
    entity_id_to_pos_index = jax.random.randint(k3, (VOCAB,), 0, N_POS, dtype=jnp.int32)
    # learned POS embedding table (sized len(entities) as in the original module)
    pos_table = jax.random.normal(k4, (VOCAB, POS_DIM), dtype=jnp.float32) * 0.02
    # projection feedforward: concat_dim = EMB_DIM + POS_DIM -> ENTITY_DIM
    W = jax.random.normal(k5, (ENTITY_DIM, EMB_DIM + POS_DIM), dtype=jnp.float32) * 0.02
    b = jnp.zeros((ENTITY_DIM,), dtype=jnp.float32)
    return {
        "entity_ids": entity_ids,
        "entity_table": entity_table,
        "entity_id_to_pos_index": entity_id_to_pos_index,
        "pos_table": pos_table,
        "W": W,
        "b": b,
    }


def reference(entity_ids, entity_table, entity_id_to_pos_index, pos_table, W, b):
    # unique entity ids + inverse mapping back to the candidate grid
    flat_ids = entity_ids.reshape(-1)
    unique_ids, inverse = jnp.unique(
        flat_ids, return_inverse=True, size=flat_ids.shape[0], fill_value=0
    )
    inverse = inverse.reshape(entity_ids.shape)
    # gather pretrained entity embeddings for unique ids
    unique_entity_embeddings = jnp.take(entity_table, unique_ids, axis=0)
    # POS index lookup, then POS embedding lookup
    unique_pos_ids = jnp.take(entity_id_to_pos_index, unique_ids, axis=0)
    unique_pos_embeddings = jnp.take(pos_table, unique_pos_ids, axis=0)
    # concat entity + POS embeddings
    entity_and_pos = jnp.concatenate([unique_entity_embeddings, unique_pos_embeddings], axis=-1)
    # linear projection (dropout is identity in eval mode)
    projected = entity_and_pos @ W.T + b
    # remap unique embeddings back to (batch, num_candidates, num_entities, entity_dim)
    return jnp.take(projected, inverse, axis=0)

if __name__ == "__main__":
    import jax
    _d = setup_inputs()
    print(jax.jit(kernel)(*tuple(_d.values())))

</pallas_src>

<mosaic_0001>
#map = affine_map<(d0, d1) -> (0)>
#map1 = affine_map<(d0, d1) -> (0, 0)>
module attributes {stable_mosaic.version = 14 : i64} {
  func.func @k(%arg0: i32, %arg1: i32, %arg2: memref<102400xi32, #tpu.memory_space<hbm>>, %arg3: memref<102400xi32, #tpu.memory_space<hbm>>, %arg4: memref<500000x128xf32, #tpu.memory_space<hbm>>, %arg5: memref<1000000xi32, #tpu.memory_space<hbm>>, %arg6: memref<102400x128xf32, #tpu.memory_space<hbm>>, %arg7: memref<102400xi32, #tpu.memory_space<hbm>>, %arg8: memref<800xi32, #tpu.memory_space<vmem>>, %arg9: memref<800xi32, #tpu.memory_space<vmem>>, %arg10: memref<800x128xf32, #tpu.memory_space<vmem>>, %arg11: memref<800xi32, #tpu.memory_space<vmem>>, %arg12: memref<!tpu.dma_semaphore, #tpu.memory_space<semaphore_mem>>, %arg13: memref<!tpu.dma_semaphore, #tpu.memory_space<semaphore_mem>>) attributes {dimension_semantics = [#tpu.dimension_semantics<core_parallel>, #tpu.dimension_semantics<subcore_parallel>], iteration_bounds = array<i64: 2, 16>, scalar_prefetch = 0 : i64, scratch_operands = 6 : i64, tpu.core_type = #tpu.core_type<sc_vector_subcore>, window_params = [{transform_indices = #map}, {transform_indices = #map}, {transform_indices = #map1}, {transform_indices = #map}, {transform_indices = #map1}, {transform_indices = #map}]} {
    %mul3A = arith.constant 2 : i32
    %mul3A_0 = arith.muli %arg1, %mul3A : i32
    %add3A = arith.addi %mul3A_0, %arg0 : i32
    %mul3A_1 = arith.constant 3200 : i32
    %mul3A_2 = arith.muli %add3A, %mul3A_1 : i32
    %add3A_3 = arith.constant 0 : i32
    %add3A_4 = arith.addi %mul3A_2, %add3A_3 : i32
    "tpu.region"() ({
      %run_scoped3A = tpu.sem_alloc : memref<!tpu.dma_semaphore, #tpu.memory_space<semaphore_mem>>
      %dma_start3A_55 = tpu.memref_slice %arg2[%add3A_4] : memref<102400xi32, #tpu.memory_space<hbm>> -> memref<800xi32, #tpu.memory_space<hbm>>
      %dma_start3A_56 = tpu.memref_slice %arg2[%add3A_4] : memref<102400xi32, #tpu.memory_space<hbm>> -> memref<800xi32, #tpu.memory_space<hbm>>
      tpu.enqueue_dma source(%dma_start3A_56 : memref<800xi32, #tpu.memory_space<hbm>>) target(%arg8 : memref<800xi32, #tpu.memory_space<vmem>>) target_semaphore(%run_scoped3A : memref<!tpu.dma_semaphore, #tpu.memory_space<semaphore_mem>>)
      %dma_wait3A_57 = tpu.memref_slice %arg2[%add3A_4] : memref<102400xi32, #tpu.memory_space<hbm>> -> memref<800xi32, #tpu.memory_space<hbm>>
      %dma_wait3A_58 = tpu.memref_slice %arg2[%add3A_4] : memref<102400xi32, #tpu.memory_space<hbm>> -> memref<800xi32, #tpu.memory_space<hbm>>
      tpu.wait_dma2 semaphore(%run_scoped3A : memref<!tpu.dma_semaphore, #tpu.memory_space<semaphore_mem>>) src(%dma_wait3A_58 : memref<800xi32, #tpu.memory_space<hbm>>) dst(%arg8 : memref<800xi32, #tpu.memory_space<vmem>>)
      tpu.yield
    }) : () -> ()
    "tpu.region"() ({
      %run_scoped3A = tpu.sem_alloc : memref<!tpu.dma_semaphore, #tpu.memory_space<semaphore_mem>>
      %dma_start3A_55 = tpu.memref_slice %arg3[%add3A_4] : memref<102400xi32, #tpu.memory_space<hbm>> -> memref<800xi32, #tpu.memory_space<hbm>>
      %dma_start3A_56 = tpu.memref_slice %arg3[%add3A_4] : memref<102400xi32, #tpu.memory_space<hbm>> -> memref<800xi32, #tpu.memory_space<hbm>>
      tpu.enqueue_dma source(%dma_start3A_56 : memref<800xi32, #tpu.memory_space<hbm>>) target(%arg9 : memref<800xi32, #tpu.memory_space<vmem>>) target_semaphore(%run_scoped3A : memref<!tpu.dma_semaphore, #tpu.memory_space<semaphore_mem>>)
      %dma_wait3A_57 = tpu.memref_slice %arg3[%add3A_4] : memref<102400xi32, #tpu.memory_space<hbm>> -> memref<800xi32, #tpu.memory_space<hbm>>
      %dma_wait3A_58 = tpu.memref_slice %arg3[%add3A_4] : memref<102400xi32, #tpu.memory_space<hbm>> -> memref<800xi32, #tpu.memory_space<hbm>>
      tpu.wait_dma2 semaphore(%run_scoped3A : memref<!tpu.dma_semaphore, #tpu.memory_space<semaphore_mem>>) src(%dma_wait3A_58 : memref<800xi32, #tpu.memory_space<hbm>>) dst(%arg9 : memref<800xi32, #tpu.memory_space<vmem>>)
      tpu.yield
    }) : () -> ()
    %dma_start3A = arith.constant 0 : i32
    %dma_start3A_5 = arith.constant 0 : i32
    %dma_start3A_6 = tpu.memref_slice %arg4[%dma_start3A, %dma_start3A_5] : memref<500000x128xf32, #tpu.memory_space<hbm>> -> memref<500000x128xf32, #tpu.memory_space<hbm>>
    tpu.enqueue_indirect_dma source(%dma_start3A_6 : memref<500000x128xf32, #tpu.memory_space<hbm>>) target(%arg10 : memref<800x128xf32, #tpu.memory_space<vmem>>) offsets(%arg8 : memref<800xi32, #tpu.memory_space<vmem>>) semaphore(%arg12 : memref<!tpu.dma_semaphore, #tpu.memory_space<semaphore_mem>>)
    %dma_start3A_7 = arith.constant 0 : i32
    %dma_start3A_8 = tpu.memref_slice %arg5[%dma_start3A_7] : memref<1000000xi32, #tpu.memory_space<hbm>> -> memref<1000000xi32, #tpu.memory_space<hbm>>
    tpu.enqueue_indirect_dma source(%dma_start3A_8 : memref<1000000xi32, #tpu.memory_space<hbm>>) target(%arg11 : memref<800xi32, #tpu.memory_space<vmem>>) offsets(%arg9 : memref<800xi32, #tpu.memory_space<vmem>>) semaphore(%arg13 : memref<!tpu.dma_semaphore, #tpu.memory_space<semaphore_mem>>)
    %dma_wait3A = arith.constant 0 : i32
    %dma_wait3A_9 = arith.constant 0 : i32
    %dma_wait3A_10 = tpu.memref_slice %arg4[%dma_wait3A, %dma_wait3A_9] : memref<500000x128xf32, #tpu.memory_space<hbm>> -> memref<500000x128xf32, #tpu.memory_space<hbm>>
    tpu.wait_indirect_dma semaphore(%arg12 : memref<!tpu.dma_semaphore, #tpu.memory_space<semaphore_mem>>) src(%dma_wait3A_10 : memref<500000x128xf32, #tpu.memory_space<hbm>>) dst(%arg10 : memref<800x128xf32, #tpu.memory_space<vmem>>)
    %dma_wait3A_11 = arith.constant 0 : i32
    %dma_wait3A_12 = tpu.memref_slice %arg5[%dma_wait3A_11] : memref<1000000xi32, #tpu.memory_space<hbm>> -> memref<1000000xi32, #tpu.memory_space<hbm>>
    tpu.wait_indirect_dma semaphore(%arg13 : memref<!tpu.dma_semaphore, #tpu.memory_space<semaphore_mem>>) src(%dma_wait3A_12 : memref<1000000xi32, #tpu.memory_space<hbm>>) dst(%arg11 : memref<800xi32, #tpu.memory_space<vmem>>)
    "tpu.region"() ({
      %run_scoped3A = tpu.sem_alloc : memref<!tpu.dma_semaphore, #tpu.memory_space<semaphore_mem>>
      %dma_start3A_55 = arith.constant 0 : i32
      %dma_start3A_56 = tpu.memref_slice %arg6[%add3A_4, %dma_start3A_55] : memref<102400x128xf32, #tpu.memory_space<hbm>> -> memref<800x128xf32, #tpu.memory_space<hbm>>
      %dma_start3A_57 = arith.constant 0 : i32
      %dma_start3A_58 = tpu.memref_slice %arg6[%add3A_4, %dma_start3A_57] : memref<102400x128xf32, #tpu.memory_space<hbm>> -> memref<800x128xf32, #tpu.memory_space<hbm>>
      tpu.enqueue_dma source(%arg10 : memref<800x128xf32, #tpu.memory_space<vmem>>) target(%dma_start3A_58 : memref<800x128xf32, #tpu.memory_space<hbm>>) target_semaphore(%run_scoped3A : memref<!tpu.dma_semaphore, #tpu.memory_space<semaphore_mem>>)
      %dma_wait3A_59 = arith.constant 0 : i32
      %dma_wait3A_60 = tpu.memref_slice %arg6[%add3A_4, %dma_wait3A_59] : memref<102400x128xf32, #tpu.memory_space<hbm>> -> memref<800x128xf32, #tpu.memory_space<hbm>>
      %dma_wait3A_61 = arith.constant 0 : i32
      %dma_wait3A_62 = tpu.memref_slice %arg6[%add3A_4, %dma_wait3A_61] : memref<102400x128xf32, #tpu.memory_space<hbm>> -> memref<800x128xf32, #tpu.memory_space<hbm>>
      tpu.wait_dma2 semaphore(%run_scoped3A : memref<!tpu.dma_semaphore, #tpu.memory_space<semaphore_mem>>) src(%arg10 : memref<800x128xf32, #tpu.memory_space<vmem>>) dst(%dma_wait3A_62 : memref<800x128xf32, #tpu.memory_space<hbm>>)
      tpu.yield
    }) : () -> ()
    "tpu.region"() ({
      %run_scoped3A = tpu.sem_alloc : memref<!tpu.dma_semaphore, #tpu.memory_space<semaphore_mem>>
      %dma_start3A_55 = tpu.memref_slice %arg7[%add3A_4] : memref<102400xi32, #tpu.memory_space<hbm>> -> memref<800xi32, #tpu.memory_space<hbm>>
      %dma_start3A_56 = tpu.memref_slice %arg7[%add3A_4] : memref<102400xi32, #tpu.memory_space<hbm>> -> memref<800xi32, #tpu.memory_space<hbm>>
      tpu.enqueue_dma source(%arg11 : memref<800xi32, #tpu.memory_space<vmem>>) target(%dma_start3A_56 : memref<800xi32, #tpu.memory_space<hbm>>) target_semaphore(%run_scoped3A : memref<!tpu.dma_semaphore, #tpu.memory_space<semaphore_mem>>)
      %dma_wait3A_57 = tpu.memref_slice %arg7[%add3A_4] : memref<102400xi32, #tpu.memory_space<hbm>> -> memref<800xi32, #tpu.memory_space<hbm>>
      %dma_wait3A_58 = tpu.memref_slice %arg7[%add3A_4] : memref<102400xi32, #tpu.memory_space<hbm>> -> memref<800xi32, #tpu.memory_space<hbm>>
      tpu.wait_dma2 semaphore(%run_scoped3A : memref<!tpu.dma_semaphore, #tpu.memory_space<semaphore_mem>>) src(%arg11 : memref<800xi32, #tpu.memory_space<vmem>>) dst(%dma_wait3A_58 : memref<800xi32, #tpu.memory_space<hbm>>)
      tpu.yield
    }) : () -> ()
    %mul3A_13 = arith.constant 3200 : i32
    %mul3A_14 = arith.muli %add3A, %mul3A_13 : i32
    %add3A_15 = arith.constant 800 : i32
    %add3A_16 = arith.addi %mul3A_14, %add3A_15 : i32
    "tpu.region"() ({
      %run_scoped3A = tpu.sem_alloc : memref<!tpu.dma_semaphore, #tpu.memory_space<semaphore_mem>>
      %dma_start3A_55 = tpu.memref_slice %arg2[%add3A_16] : memref<102400xi32, #tpu.memory_space<hbm>> -> memref<800xi32, #tpu.memory_space<hbm>>
      %dma_start3A_56 = tpu.memref_slice %arg2[%add3A_16] : memref<102400xi32, #tpu.memory_space<hbm>> -> memref<800xi32, #tpu.memory_space<hbm>>
      tpu.enqueue_dma source(%dma_start3A_56 : memref<800xi32, #tpu.memory_space<hbm>>) target(%arg8 : memref<800xi32, #tpu.memory_space<vmem>>) target_semaphore(%run_scoped3A : memref<!tpu.dma_semaphore, #tpu.memory_space<semaphore_mem>>)
      %dma_wait3A_57 = tpu.memref_slice %arg2[%add3A_16] : memref<102400xi32, #tpu.memory_space<hbm>> -> memref<800xi32, #tpu.memory_space<hbm>>
      %dma_wait3A_58 = tpu.memref_slice %arg2[%add3A_16] : memref<102400xi32, #tpu.memory_space<hbm>> -> memref<800xi32, #tpu.memory_space<hbm>>
      tpu.wait_dma2 semaphore(%run_scoped3A : memref<!tpu.dma_semaphore, #tpu.memory_space<semaphore_mem>>) src(%dma_wait3A_58 : memref<800xi32, #tpu.memory_space<hbm>>) dst(%arg8 : memref<800xi32, #tpu.memory_space<vmem>>)
      tpu.yield
    }) : () -> ()
    "tpu.region"() ({
      %run_scoped3A = tpu.sem_alloc : memref<!tpu.dma_semaphore, #tpu.memory_space<semaphore_mem>>
      %dma_start3A_55 = tpu.memref_slice %arg3[%add3A_16] : memref<102400xi32, #tpu.memory_space<hbm>> -> memref<800xi32, #tpu.memory_space<hbm>>
      %dma_start3A_56 = tpu.memref_slice %arg3[%add3A_16] : memref<102400xi32, #tpu.memory_space<hbm>> -> memref<800xi32, #tpu.memory_space<hbm>>
      tpu.enqueue_dma source(%dma_start3A_56 : memref<800xi32, #tpu.memory_space<hbm>>) target(%arg9 : memref<800xi32, #tpu.memory_space<vmem>>) target_semaphore(%run_scoped3A : memref<!tpu.dma_semaphore, #tpu.memory_space<semaphore_mem>>)
      %dma_wait3A_57 = tpu.memref_slice %arg3[%add3A_16] : memref<102400xi32, #tpu.memory_space<hbm>> -> memref<800xi32, #tpu.memory_space<hbm>>
      %dma_wait3A_58 = tpu.memref_slice %arg3[%add3A_16] : memref<102400xi32, #tpu.memory_space<hbm>> -> memref<800xi32, #tpu.memory_space<hbm>>
      tpu.wait_dma2 semaphore(%run_scoped3A : memref<!tpu.dma_semaphore, #tpu.memory_space<semaphore_mem>>) src(%dma_wait3A_58 : memref<800xi32, #tpu.memory_space<hbm>>) dst(%arg9 : memref<800xi32, #tpu.memory_space<vmem>>)
      tpu.yield
    }) : () -> ()
    %dma_start3A_17 = arith.constant 0 : i32
    %dma_start3A_18 = arith.constant 0 : i32
    %dma_start3A_19 = tpu.memref_slice %arg4[%dma_start3A_17, %dma_start3A_18] : memref<500000x128xf32, #tpu.memory_space<hbm>> -> memref<500000x128xf32, #tpu.memory_space<hbm>>
    tpu.enqueue_indirect_dma source(%dma_start3A_19 : memref<500000x128xf32, #tpu.memory_space<hbm>>) target(%arg10 : memref<800x128xf32, #tpu.memory_space<vmem>>) offsets(%arg8 : memref<800xi32, #tpu.memory_space<vmem>>) semaphore(%arg12 : memref<!tpu.dma_semaphore, #tpu.memory_space<semaphore_mem>>)
    %dma_start3A_20 = arith.constant 0 : i32
    %dma_start3A_21 = tpu.memref_slice %arg5[%dma_start3A_20] : memref<1000000xi32, #tpu.memory_space<hbm>> -> memref<1000000xi32, #tpu.memory_space<hbm>>
    tpu.enqueue_indirect_dma source(%dma_start3A_21 : memref<1000000xi32, #tpu.memory_space<hbm>>) target(%arg11 : memref<800xi32, #tpu.memory_space<vmem>>) offsets(%arg9 : memref<800xi32, #tpu.memory_space<vmem>>) semaphore(%arg13 : memref<!tpu.dma_semaphore, #tpu.memory_space<semaphore_mem>>)
    %dma_wait3A_22 = arith.constant 0 : i32
    %dma_wait3A_23 = arith.constant 0 : i32
    %dma_wait3A_24 = tpu.memref_slice %arg4[%dma_wait3A_22, %dma_wait3A_23] : memref<500000x128xf32, #tpu.memory_space<hbm>> -> memref<500000x128xf32, #tpu.memory_space<hbm>>
    tpu.wait_indirect_dma semaphore(%arg12 : memref<!tpu.dma_semaphore, #tpu.memory_space<semaphore_mem>>) src(%dma_wait3A_24 : memref<500000x128xf32, #tpu.memory_space<hbm>>) dst(%arg10 : memref<800x128xf32, #tpu.memory_space<vmem>>)
    %dma_wait3A_25 = arith.constant 0 : i32
    %dma_wait3A_26 = tpu.memref_slice %arg5[%dma_wait3A_25] : memref<1000000xi32, #tpu.memory_space<hbm>> -> memref<1000000xi32, #tpu.memory_space<hbm>>
    tpu.wait_indirect_dma semaphore(%arg13 : memref<!tpu.dma_semaphore, #tpu.memory_space<semaphore_mem>>) src(%dma_wait3A_26 : memref<1000000xi32, #tpu.memory_space<hbm>>) dst(%arg11 : memref<800xi32, #tpu.memory_space<vmem>>)
    "tpu.region"() ({
      %run_scoped3A = tpu.sem_alloc : memref<!tpu.dma_semaphore, #tpu.memory_space<semaphore_mem>>
      %dma_start3A_55 = arith.constant 0 : i32
      %dma_start3A_56 = tpu.memref_slice %arg6[%add3A_16, %dma_start3A_55] : memref<102400x128xf32, #tpu.memory_space<hbm>> -> memref<800x128xf32, #tpu.memory_space<hbm>>
      %dma_start3A_57 = arith.constant 0 : i32
      %dma_start3A_58 = tpu.memref_slice %arg6[%add3A_16, %dma_start3A_57] : memref<102400x128xf32, #tpu.memory_space<hbm>> -> memref<800x128xf32, #tpu.memory_space<hbm>>
      tpu.enqueue_dma source(%arg10 : memref<800x128xf32, #tpu.memory_space<vmem>>) target(%dma_start3A_58 : memref<800x128xf32, #tpu.memory_space<hbm>>) target_semaphore(%run_scoped3A : memref<!tpu.dma_semaphore, #tpu.memory_space<semaphore_mem>>)
      %dma_wait3A_59 = arith.constant 0 : i32
      %dma_wait3A_60 = tpu.memref_slice %arg6[%add3A_16, %dma_wait3A_59] : memref<102400x128xf32, #tpu.memory_space<hbm>> -> memref<800x128xf32, #tpu.memory_space<hbm>>
      %dma_wait3A_61 = arith.constant 0 : i32
      %dma_wait3A_62 = tpu.memref_slice %arg6[%add3A_16, %dma_wait3A_61] : memref<102400x128xf32, #tpu.memory_space<hbm>> -> memref<800x128xf32, #tpu.memory_space<hbm>>
      tpu.wait_dma2 semaphore(%run_scoped3A : memref<!tpu.dma_semaphore, #tpu.memory_space<semaphore_mem>>) src(%arg10 : memref<800x128xf32, #tpu.memory_space<vmem>>) dst(%dma_wait3A_62 : memref<800x128xf32, #tpu.memory_space<hbm>>)
      tpu.yield
    }) : () -> ()
    "tpu.region"() ({
      %run_scoped3A = tpu.sem_alloc : memref<!tpu.dma_semaphore, #tpu.memory_space<semaphore_mem>>
      %dma_start3A_55 = tpu.memref_slice %arg7[%add3A_16] : memref<102400xi32, #tpu.memory_space<hbm>> -> memref<800xi32, #tpu.memory_space<hbm>>
      %dma_start3A_56 = tpu.memref_slice %arg7[%add3A_16] : memref<102400xi32, #tpu.memory_space<hbm>> -> memref<800xi32, #tpu.memory_space<hbm>>
      tpu.enqueue_dma source(%arg11 : memref<800xi32, #tpu.memory_space<vmem>>) target(%dma_start3A_56 : memref<800xi32, #tpu.memory_space<hbm>>) target_semaphore(%run_scoped3A : memref<!tpu.dma_semaphore, #tpu.memory_space<semaphore_mem>>)
      %dma_wait3A_57 = tpu.memref_slice %arg7[%add3A_16] : memref<102400xi32, #tpu.memory_space<hbm>> -> memref<800xi32, #tpu.memory_space<hbm>>
      %dma_wait3A_58 = tpu.memref_slice %arg7[%add3A_16] : memref<102400xi32, #tpu.memory_space<hbm>> -> memref<800xi32, #tpu.memory_space<hbm>>
      tpu.wait_dma2 semaphore(%run_scoped3A : memref<!tpu.dma_semaphore, #tpu.memory_space<semaphore_mem>>) src(%arg11 : memref<800xi32, #tpu.memory_space<vmem>>) dst(%dma_wait3A_58 : memref<800xi32, #tpu.memory_space<hbm>>)
      tpu.yield
    }) : () -> ()
    %mul3A_27 = arith.constant 3200 : i32
    %mul3A_28 = arith.muli %add3A, %mul3A_27 : i32
    %add3A_29 = arith.constant 1600 : i32
    %add3A_30 = arith.addi %mul3A_28, %add3A_29 : i32
    "tpu.region"() ({
      %run_scoped3A = tpu.sem_alloc : memref<!tpu.dma_semaphore, #tpu.memory_space<semaphore_mem>>
      %dma_start3A_55 = tpu.memref_slice %arg2[%add3A_30] : memref<102400xi32, #tpu.memory_space<hbm>> -> memref<800xi32, #tpu.memory_space<hbm>>
      %dma_start3A_56 = tpu.memref_slice %arg2[%add3A_30] : memref<102400xi32, #tpu.memory_space<hbm>> -> memref<800xi32, #tpu.memory_space<hbm>>
      tpu.enqueue_dma source(%dma_start3A_56 : memref<800xi32, #tpu.memory_space<hbm>>) target(%arg8 : memref<800xi32, #tpu.memory_space<vmem>>) target_semaphore(%run_scoped3A : memref<!tpu.dma_semaphore, #tpu.memory_space<semaphore_mem>>)
      %dma_wait3A_57 = tpu.memref_slice %arg2[%add3A_30] : memref<102400xi32, #tpu.memory_space<hbm>> -> memref<800xi32, #tpu.memory_space<hbm>>
      %dma_wait3A_58 = tpu.memref_slice %arg2[%add3A_30] : memref<102400xi32, #tpu.memory_space<hbm>> -> memref<800xi32, #tpu.memory_space<hbm>>
      tpu.wait_dma2 semaphore(%run_scoped3A : memref<!tpu.dma_semaphore, #tpu.memory_space<semaphore_mem>>) src(%dma_wait3A_58 : memref<800xi32, #tpu.memory_space<hbm>>) dst(%arg8 : memref<800xi32, #tpu.memory_space<vmem>>)
      tpu.yield
    }) : () -> ()
    "tpu.region"() ({
      %run_scoped3A = tpu.sem_alloc : memref<!tpu.dma_semaphore, #tpu.memory_space<semaphore_mem>>
      %dma_start3A_55 = tpu.memref_slice %arg3[%add3A_30] : memref<102400xi32, #tpu.memory_space<hbm>> -> memref<800xi32, #tpu.memory_space<hbm>>
      %dma_start3A_56 = tpu.memref_slice %arg3[%add3A_30] : memref<102400xi32, #tpu.memory_space<hbm>> -> memref<800xi32, #tpu.memory_space<hbm>>
      tpu.enqueue_dma source(%dma_start3A_56 : memref<800xi32, #tpu.memory_space<hbm>>) target(%arg9 : memref<800xi32, #tpu.memory_space<vmem>>) target_semaphore(%run_scoped3A : memref<!tpu.dma_semaphore, #tpu.memory_space<semaphore_mem>>)
      %dma_wait3A_57 = tpu.memref_slice %arg3[%add3A_30] : memref<102400xi32, #tpu.memory_space<hbm>> -> memref<800xi32, #tpu.memory_space<hbm>>
      %dma_wait3A_58 = tpu.memref_slice %arg3[%add3A_30] : memref<102400xi32, #tpu.memory_space<hbm>> -> memref<800xi32, #tpu.memory_space<hbm>>
      tpu.wait_dma2 semaphore(%run_scoped3A : memref<!tpu.dma_semaphore, #tpu.memory_space<semaphore_mem>>) src(%dma_wait3A_58 : memref<800xi32, #tpu.memory_space<hbm>>) dst(%arg9 : memref<800xi32, #tpu.memory_space<vmem>>)
      tpu.yield
    }) : () -> ()
    %dma_start3A_31 = arith.constant 0 : i32
    %dma_start3A_32 = arith.constant 0 : i32
    %dma_start3A_33 = tpu.memref_slice %arg4[%dma_start3A_31, %dma_start3A_32] : memref<500000x128xf32, #tpu.memory_space<hbm>> -> memref<500000x128xf32, #tpu.memory_space<hbm>>
    tpu.enqueue_indirect_dma source(%dma_start3A_33 : memref<500000x128xf32, #tpu.memory_space<hbm>>) target(%arg10 : memref<800x128xf32, #tpu.memory_space<vmem>>) offsets(%arg8 : memref<800xi32, #tpu.memory_space<vmem>>) semaphore(%arg12 : memref<!tpu.dma_semaphore, #tpu.memory_space<semaphore_mem>>)
    %dma_start3A_34 = arith.constant 0 : i32
    %dma_start3A_35 = tpu.memref_slice %arg5[%dma_start3A_34] : memref<1000000xi32, #tpu.memory_space<hbm>> -> memref<1000000xi32, #tpu.memory_space<hbm>>
    tpu.enqueue_indirect_dma source(%dma_start3A_35 : memref<1000000xi32, #tpu.memory_space<hbm>>) target(%arg11 : memref<800xi32, #tpu.memory_space<vmem>>) offsets(%arg9 : memref<800xi32, #tpu.memory_space<vmem>>) semaphore(%arg13 : memref<!tpu.dma_semaphore, #tpu.memory_space<semaphore_mem>>)
    %dma_wait3A_36 = arith.constant 0 : i32
    %dma_wait3A_37 = arith.constant 0 : i32
    %dma_wait3A_38 = tpu.memref_slice %arg4[%dma_wait3A_36, %dma_wait3A_37] : memref<500000x128xf32, #tpu.memory_space<hbm>> -> memref<500000x128xf32, #tpu.memory_space<hbm>>
    tpu.wait_indirect_dma semaphore(%arg12 : memref<!tpu.dma_semaphore, #tpu.memory_space<semaphore_mem>>) src(%dma_wait3A_38 : memref<500000x128xf32, #tpu.memory_space<hbm>>) dst(%arg10 : memref<800x128xf32, #tpu.memory_space<vmem>>)
    %dma_wait3A_39 = arith.constant 0 : i32
    %dma_wait3A_40 = tpu.memref_slice %arg5[%dma_wait3A_39] : memref<1000000xi32, #tpu.memory_space<hbm>> -> memref<1000000xi32, #tpu.memory_space<hbm>>
    tpu.wait_indirect_dma semaphore(%arg13 : memref<!tpu.dma_semaphore, #tpu.memory_space<semaphore_mem>>) src(%dma_wait3A_40 : memref<1000000xi32, #tpu.memory_space<hbm>>) dst(%arg11 : memref<800xi32, #tpu.memory_space<vmem>>)
    "tpu.region"() ({
      %run_scoped3A = tpu.sem_alloc : memref<!tpu.dma_semaphore, #tpu.memory_space<semaphore_mem>>
      %dma_start3A_55 = arith.constant 0 : i32
      %dma_start3A_56 = tpu.memref_slice %arg6[%add3A_30, %dma_start3A_55] : memref<102400x128xf32, #tpu.memory_space<hbm>> -> memref<800x128xf32, #tpu.memory_space<hbm>>
      %dma_start3A_57 = arith.constant 0 : i32
      %dma_start3A_58 = tpu.memref_slice %arg6[%add3A_30, %dma_start3A_57] : memref<102400x128xf32, #tpu.memory_space<hbm>> -> memref<800x128xf32, #tpu.memory_space<hbm>>
      tpu.enqueue_dma source(%arg10 : memref<800x128xf32, #tpu.memory_space<vmem>>) target(%dma_start3A_58 : memref<800x128xf32, #tpu.memory_space<hbm>>) target_semaphore(%run_scoped3A : memref<!tpu.dma_semaphore, #tpu.memory_space<semaphore_mem>>)
      %dma_wait3A_59 = arith.constant 0 : i32
      %dma_wait3A_60 = tpu.memref_slice %arg6[%add3A_30, %dma_wait3A_59] : memref<102400x128xf32, #tpu.memory_space<hbm>> -> memref<800x128xf32, #tpu.memory_space<hbm>>
      %dma_wait3A_61 = arith.constant 0 : i32
      %dma_wait3A_62 = tpu.memref_slice %arg6[%add3A_30, %dma_wait3A_61] : memref<102400x128xf32, #tpu.memory_space<hbm>> -> memref<800x128xf32, #tpu.memory_space<hbm>>
      tpu.wait_dma2 semaphore(%run_scoped3A : memref<!tpu.dma_semaphore, #tpu.memory_space<semaphore_mem>>) src(%arg10 : memref<800x128xf32, #tpu.memory_space<vmem>>) dst(%dma_wait3A_62 : memref<800x128xf32, #tpu.memory_space<hbm>>)
      tpu.yield
    }) : () -> ()
    "tpu.region"() ({
      %run_scoped3A = tpu.sem_alloc : memref<!tpu.dma_semaphore, #tpu.memory_space<semaphore_mem>>
      %dma_start3A_55 = tpu.memref_slice %arg7[%add3A_30] : memref<102400xi32, #tpu.memory_space<hbm>> -> memref<800xi32, #tpu.memory_space<hbm>>
      %dma_start3A_56 = tpu.memref_slice %arg7[%add3A_30] : memref<102400xi32, #tpu.memory_space<hbm>> -> memref<800xi32, #tpu.memory_space<hbm>>
      tpu.enqueue_dma source(%arg11 : memref<800xi32, #tpu.memory_space<vmem>>) target(%dma_start3A_56 : memref<800xi32, #tpu.memory_space<hbm>>) target_semaphore(%run_scoped3A : memref<!tpu.dma_semaphore, #tpu.memory_space<semaphore_mem>>)
      %dma_wait3A_57 = tpu.memref_slice %arg7[%add3A_30] : memref<102400xi32, #tpu.memory_space<hbm>> -> memref<800xi32, #tpu.memory_space<hbm>>
      %dma_wait3A_58 = tpu.memref_slice %arg7[%add3A_30] : memref<102400xi32, #tpu.memory_space<hbm>> -> memref<800xi32, #tpu.memory_space<hbm>>
      tpu.wait_dma2 semaphore(%run_scoped3A : memref<!tpu.dma_semaphore, #tpu.memory_space<semaphore_mem>>) src(%arg11 : memref<800xi32, #tpu.memory_space<vmem>>) dst(%dma_wait3A_58 : memref<800xi32, #tpu.memory_space<hbm>>)
      tpu.yield
    }) : () -> ()
    %mul3A_41 = arith.constant 3200 : i32
    %mul3A_42 = arith.muli %add3A, %mul3A_41 : i32
    %add3A_43 = arith.constant 2400 : i32
    %add3A_44 = arith.addi %mul3A_42, %add3A_43 : i32
    "tpu.region"() ({
      %run_scoped3A = tpu.sem_alloc : memref<!tpu.dma_semaphore, #tpu.memory_space<semaphore_mem>>
      %dma_start3A_55 = tpu.memref_slice %arg2[%add3A_44] : memref<102400xi32, #tpu.memory_space<hbm>> -> memref<800xi32, #tpu.memory_space<hbm>>
      %dma_start3A_56 = tpu.memref_slice %arg2[%add3A_44] : memref<102400xi32, #tpu.memory_space<hbm>> -> memref<800xi32, #tpu.memory_space<hbm>>
      tpu.enqueue_dma source(%dma_start3A_56 : memref<800xi32, #tpu.memory_space<hbm>>) target(%arg8 : memref<800xi32, #tpu.memory_space<vmem>>) target_semaphore(%run_scoped3A : memref<!tpu.dma_semaphore, #tpu.memory_space<semaphore_mem>>)
      %dma_wait3A_57 = tpu.memref_slice %arg2[%add3A_44] : memref<102400xi32, #tpu.memory_space<hbm>> -> memref<800xi32, #tpu.memory_space<hbm>>
      %dma_wait3A_58 = tpu.memref_slice %arg2[%add3A_44] : memref<102400xi32, #tpu.memory_space<hbm>> -> memref<800xi32, #tpu.memory_space<hbm>>
      tpu.wait_dma2 semaphore(%run_scoped3A : memref<!tpu.dma_semaphore, #tpu.memory_space<semaphore_mem>>) src(%dma_wait3A_58 : memref<800xi32, #tpu.memory_space<hbm>>) dst(%arg8 : memref<800xi32, #tpu.memory_space<vmem>>)
      tpu.yield
    }) : () -> ()
    "tpu.region"() ({
      %run_scoped3A = tpu.sem_alloc : memref<!tpu.dma_semaphore, #tpu.memory_space<semaphore_mem>>
      %dma_start3A_55 = tpu.memref_slice %arg3[%add3A_44] : memref<102400xi32, #tpu.memory_space<hbm>> -> memref<800xi32, #tpu.memory_space<hbm>>
      %dma_start3A_56 = tpu.memref_slice %arg3[%add3A_44] : memref<102400xi32, #tpu.memory_space<hbm>> -> memref<800xi32, #tpu.memory_space<hbm>>
      tpu.enqueue_dma source(%dma_start3A_56 : memref<800xi32, #tpu.memory_space<hbm>>) target(%arg9 : memref<800xi32, #tpu.memory_space<vmem>>) target_semaphore(%run_scoped3A : memref<!tpu.dma_semaphore, #tpu.memory_space<semaphore_mem>>)
      %dma_wait3A_57 = tpu.memref_slice %arg3[%add3A_44] : memref<102400xi32, #tpu.memory_space<hbm>> -> memref<800xi32, #tpu.memory_space<hbm>>
      %dma_wait3A_58 = tpu.memref_slice %arg3[%add3A_44] : memref<102400xi32, #tpu.memory_space<hbm>> -> memref<800xi32, #tpu.memory_space<hbm>>
      tpu.wait_dma2 semaphore(%run_scoped3A : memref<!tpu.dma_semaphore, #tpu.memory_space<semaphore_mem>>) src(%dma_wait3A_58 : memref<800xi32, #tpu.memory_space<hbm>>) dst(%arg9 : memref<800xi32, #tpu.memory_space<vmem>>)
      tpu.yield
    }) : () -> ()
    %dma_start3A_45 = arith.constant 0 : i32
    %dma_start3A_46 = arith.constant 0 : i32
    %dma_start3A_47 = tpu.memref_slice %arg4[%dma_start3A_45, %dma_start3A_46] : memref<500000x128xf32, #tpu.memory_space<hbm>> -> memref<500000x128xf32, #tpu.memory_space<hbm>>
    tpu.enqueue_indirect_dma source(%dma_start3A_47 : memref<500000x128xf32, #tpu.memory_space<hbm>>) target(%arg10 : memref<800x128xf32, #tpu.memory_space<vmem>>) offsets(%arg8 : memref<800xi32, #tpu.memory_space<vmem>>) semaphore(%arg12 : memref<!tpu.dma_semaphore, #tpu.memory_space<semaphore_mem>>)
    %dma_start3A_48 = arith.constant 0 : i32
    %dma_start3A_49 = tpu.memref_slice %arg5[%dma_start3A_48] : memref<1000000xi32, #tpu.memory_space<hbm>> -> memref<1000000xi32, #tpu.memory_space<hbm>>
    tpu.enqueue_indirect_dma source(%dma_start3A_49 : memref<1000000xi32, #tpu.memory_space<hbm>>) target(%arg11 : memref<800xi32, #tpu.memory_space<vmem>>) offsets(%arg9 : memref<800xi32, #tpu.memory_space<vmem>>) semaphore(%arg13 : memref<!tpu.dma_semaphore, #tpu.memory_space<semaphore_mem>>)
    %dma_wait3A_50 = arith.constant 0 : i32
    %dma_wait3A_51 = arith.constant 0 : i32
    %dma_wait3A_52 = tpu.memref_slice %arg4[%dma_wait3A_50, %dma_wait3A_51] : memref<500000x128xf32, #tpu.memory_space<hbm>> -> memref<500000x128xf32, #tpu.memory_space<hbm>>
    tpu.wait_indirect_dma semaphore(%arg12 : memref<!tpu.dma_semaphore, #tpu.memory_space<semaphore_mem>>) src(%dma_wait3A_52 : memref<500000x128xf32, #tpu.memory_space<hbm>>) dst(%arg10 : memref<800x128xf32, #tpu.memory_space<vmem>>)
    %dma_wait3A_53 = arith.constant 0 : i32
    %dma_wait3A_54 = tpu.memref_slice %arg5[%dma_wait3A_53] : memref<1000000xi32, #tpu.memory_space<hbm>> -> memref<1000000xi32, #tpu.memory_space<hbm>>
    tpu.wait_indirect_dma semaphore(%arg13 : memref<!tpu.dma_semaphore, #tpu.memory_space<semaphore_mem>>) src(%dma_wait3A_54 : memref<1000000xi32, #tpu.memory_space<hbm>>) dst(%arg11 : memref<800xi32, #tpu.memory_space<vmem>>)
    "tpu.region"() ({
      %run_scoped3A = tpu.sem_alloc : memref<!tpu.dma_semaphore, #tpu.memory_space<semaphore_mem>>
      %dma_start3A_55 = arith.constant 0 : i32
      %dma_start3A_56 = tpu.memref_slice %arg6[%add3A_44, %dma_start3A_55] : memref<102400x128xf32, #tpu.memory_space<hbm>> -> memref<800x128xf32, #tpu.memory_space<hbm>>
      %dma_start3A_57 = arith.constant 0 : i32
      %dma_start3A_58 = tpu.memref_slice %arg6[%add3A_44, %dma_start3A_57] : memref<102400x128xf32, #tpu.memory_space<hbm>> -> memref<800x128xf32, #tpu.memory_space<hbm>>
      tpu.enqueue_dma source(%arg10 : memref<800x128xf32, #tpu.memory_space<vmem>>) target(%dma_start3A_58 : memref<800x128xf32, #tpu.memory_space<hbm>>) target_semaphore(%run_scoped3A : memref<!tpu.dma_semaphore, #tpu.memory_space<semaphore_mem>>)
      %dma_wait3A_59 = arith.constant 0 : i32
      %dma_wait3A_60 = tpu.memref_slice %arg6[%add3A_44, %dma_wait3A_59] : memref<102400x128xf32, #tpu.memory_space<hbm>> -> memref<800x128xf32, #tpu.memory_space<hbm>>
      %dma_wait3A_61 = arith.constant 0 : i32
      %dma_wait3A_62 = tpu.memref_slice %arg6[%add3A_44, %dma_wait3A_61] : memref<102400x128xf32, #tpu.memory_space<hbm>> -> memref<800x128xf32, #tpu.memory_space<hbm>>
      tpu.wait_dma2 semaphore(%run_scoped3A : memref<!tpu.dma_semaphore, #tpu.memory_space<semaphore_mem>>) src(%arg10 : memref<800x128xf32, #tpu.memory_space<vmem>>) dst(%dma_wait3A_62 : memref<800x128xf32, #tpu.memory_space<hbm>>)
      tpu.yield
    }) : () -> ()
    "tpu.region"() ({
      %run_scoped3A = tpu.sem_alloc : memref<!tpu.dma_semaphore, #tpu.memory_space<semaphore_mem>>
      %dma_start3A_55 = tpu.memref_slice %arg7[%add3A_44] : memref<102400xi32, #tpu.memory_space<hbm>> -> memref<800xi32, #tpu.memory_space<hbm>>
      %dma_start3A_56 = tpu.memref_slice %arg7[%add3A_44] : memref<102400xi32, #tpu.memory_space<hbm>> -> memref<800xi32, #tpu.memory_space<hbm>>
      tpu.enqueue_dma source(%arg11 : memref<800xi32, #tpu.memory_space<vmem>>) target(%dma_start3A_56 : memref<800xi32, #tpu.memory_space<hbm>>) target_semaphore(%run_scoped3A : memref<!tpu.dma_semaphore, #tpu.memory_space<semaphore_mem>>)
      %dma_wait3A_57 = tpu.memref_slice %arg7[%add3A_44] : memref<102400xi32, #tpu.memory_space<hbm>> -> memref<800xi32, #tpu.memory_space<hbm>>
      %dma_wait3A_58 = tpu.memref_slice %arg7[%add3A_44] : memref<102400xi32, #tpu.memory_space<hbm>> -> memref<800xi32, #tpu.memory_space<hbm>>
      tpu.wait_dma2 semaphore(%run_scoped3A : memref<!tpu.dma_semaphore, #tpu.memory_space<semaphore_mem>>) src(%arg11 : memref<800xi32, #tpu.memory_space<vmem>>) dst(%dma_wait3A_58 : memref<800xi32, #tpu.memory_space<hbm>>)
      tpu.yield
    }) : () -> ()
    return
  }
}

module attributes {stable_mosaic.version = 14 : i64} {
  func.func @body(%arg0: i32, %arg1: memref<3200x128xf32, #tpu.memory_space<vmem>>, %arg2: memref<3200x1xi32, #tpu.memory_space<vmem>>, %arg3: memref<3200x1xi32, #tpu.memory_space<vmem>>, %arg4: memref<128x128xf32, #tpu.memory_space<vmem>>, %arg5: memref<128x32xf32, #tpu.memory_space<vmem>>, %arg6: memref<32x128xf32, #tpu.memory_space<vmem>>, %arg7: memref<1x128xf32, #tpu.memory_space<vmem>>, %arg8: memref<32x20x5x128xf32, #tpu.memory_space<vmem>>) attributes {dimension_semantics = [#tpu.dimension_semantics<arbitrary>], iteration_bounds = array<i64: 32>, scalar_prefetch = 0 : i64, scratch_operands = 0 : i64, tpu.core_type = #tpu.core_type<tc>, window_params = [{transform_indices = @transform_0, window_bounds = array<i64: 3200, 128>}, {transform_indices = @transform_1, window_bounds = array<i64: 3200, 1>}, {transform_indices = @transform_2, window_bounds = array<i64: 3200, 1>}, {pipeline_mode = #tpu.pipeline_mode<synchronous>, transform_indices = @transform_3, window_bounds = array<i64: 128, 128>}, {pipeline_mode = #tpu.pipeline_mode<synchronous>, transform_indices = @transform_4, window_bounds = array<i64: 128, 32>}, {pipeline_mode = #tpu.pipeline_mode<synchronous>, transform_indices = @transform_5, window_bounds = array<i64: 32, 128>}, {pipeline_mode = #tpu.pipeline_mode<synchronous>, transform_indices = @transform_6, window_bounds = array<i64: 1, 128>}, {transform_indices = @transform_7, window_bounds = array<i64: 32, 20, 5, 128>}]} {
    %get3A = arith.constant 0 : index
    %get3A_0 = arith.constant 0 : index
    %get3A_1 = vector.load %arg5[%get3A, %get3A_0] : memref<128x32xf32, #tpu.memory_space<vmem>>, vector<128x32xf32>
    %get3A_2 = arith.constant 0 : index
    %get3A_3 = arith.constant 0 : index
    %get3A_4 = vector.load %arg6[%get3A_2, %get3A_3] : memref<32x128xf32, #tpu.memory_space<vmem>>, vector<32x128xf32>
    %dot_general3A = arith.constant dense<0.000000e+00> : vector<128x128xf32>
    %dot_general3A_5 = tpu.matmul %get3A_1, %get3A_4, %dot_general3A {dimension_numbers = #tpu.dot_dimension_numbers<[1], [0], [0], [1], [0, 0, 1, 1], [], []>, transpose_lhs_hint = false} : vector<128x32xf32>, vector<32x128xf32>, vector<128x128xf32> -> vector<128x128xf32>
    %iota3A = tpu.iota {dimensions = array<i32: 1>} : vector<3200x128xi32>
    %get3A_6 = arith.constant 0 : index
    %get3A_7 = arith.constant 0 : index
    %get3A_8 = vector.load %arg2[%get3A_6, %get3A_7] : memref<3200x1xi32, #tpu.memory_space<vmem>>, vector<3200x1xi32>
    %eq3A = vector.broadcast %get3A_8 : vector<3200x1xi32> to vector<3200x128xi32>
    %eq3A_9 = arith.cmpi eq, %eq3A, %iota3A : vector<3200x128xi32>
    %convert_element_type3A = arith.extui %eq3A_9 : vector<3200x128xi1> to vector<3200x128xi32>
    %convert_element_type3A_10 = arith.sitofp %convert_element_type3A : vector<3200x128xi32> to vector<3200x128xf32>
    %ge3A = arith.constant 64 : i32
    %ge3A_11 = vector.broadcast %ge3A : i32 to vector<3200x128xi32>
    %ge3A_12 = arith.cmpi sge, %iota3A, %ge3A_11 : vector<3200x128xi32>
    %get3A_13 = arith.constant 0 : index
    %get3A_14 = arith.constant 0 : index
    %get3A_15 = vector.load %arg3[%get3A_13, %get3A_14] : memref<3200x1xi32, #tpu.memory_space<vmem>>, vector<3200x1xi32>
    %convert_element_type3A_16 = arith.extui %ge3A_12 : vector<3200x128xi1> to vector<3200x128xi32>
    %eq3A_17 = vector.broadcast %get3A_15 : vector<3200x1xi32> to vector<3200x128xi32>
    %eq3A_18 = arith.cmpi eq, %eq3A_17, %convert_element_type3A_16 : vector<3200x128xi32>
    %convert_element_type3A_19 = arith.extui %eq3A_18 : vector<3200x128xi1> to vector<3200x128xi32>
    %convert_element_type3A_20 = arith.sitofp %convert_element_type3A_19 : vector<3200x128xi32> to vector<3200x128xf32>
    %get3A_21 = arith.constant 0 : index
    %get3A_22 = arith.constant 0 : index
    %get3A_23 = vector.load %arg1[%get3A_21, %get3A_22] : memref<3200x128xf32, #tpu.memory_space<vmem>>, vector<3200x128xf32>
    %mul3A = arith.mulf %get3A_23, %convert_element_type3A_20 : vector<3200x128xf32>
    %get3A_24 = arith.constant 0 : index
    %get3A_25 = arith.constant 0 : index
    %get3A_26 = vector.load %arg4[%get3A_24, %get3A_25] : memref<128x128xf32, #tpu.memory_space<vmem>>, vector<128x128xf32>
    %dot_general3A_27 = arith.constant dense<0.000000e+00> : vector<3200x128xf32>
    %dot_general3A_28 = tpu.matmul %mul3A, %get3A_26, %dot_general3A_27 {dimension_numbers = #tpu.dot_dimension_numbers<[1], [0], [0], [1], [0, 0, 1, 1], [], []>, transpose_lhs_hint = false} : vector<3200x128xf32>, vector<128x128xf32>, vector<3200x128xf32> -> vector<3200x128xf32>
    %dot_general3A_29 = arith.constant dense<0.000000e+00> : vector<3200x128xf32>
    %dot_general3A_30 = tpu.matmul %convert_element_type3A_10, %dot_general3A_5, %dot_general3A_29 {dimension_numbers = #tpu.dot_dimension_numbers<[1], [0], [0], [1], [0, 0, 1, 1], [], []>, transpose_lhs_hint = false} : vector<3200x128xf32>, vector<128x128xf32>, vector<3200x128xf32> -> vector<3200x128xf32>
    %add3A = arith.addf %dot_general3A_28, %dot_general3A_30 : vector<3200x128xf32>
    %get3A_31 = arith.constant 0 : index
    %get3A_32 = arith.constant 0 : index
    %get3A_33 = vector.load %arg7[%get3A_31, %get3A_32] : memref<1x128xf32, #tpu.memory_space<vmem>>, vector<1x128xf32>
    %add3A_34 = vector.broadcast %get3A_33 : vector<1x128xf32> to vector<3200x128xf32>
    %add3A_35 = arith.addf %add3A, %add3A_34 : vector<3200x128xf32>
    %reshape3A = vector.shape_cast %add3A_35 : vector<3200x128xf32> to vector<32x20x5x128xf32>
    %swap3A = arith.constant 0 : index
    %swap3A_36 = arith.constant 0 : index
    %swap3A_37 = arith.constant 0 : index
    %swap3A_38 = arith.constant 0 : index
    %swap3A_39 = vector.load %arg8[%swap3A, %swap3A_36, %swap3A_37, %swap3A_38] : memref<32x20x5x128xf32, #tpu.memory_space<vmem>>, vector<32x20x5x128xf32>
    tpu.vector_store %arg8[%swap3A, %swap3A_36, %swap3A_37, %swap3A_38], %reshape3A {strides = array<i32>} : memref<32x20x5x128xf32, #tpu.memory_space<vmem>>, vector<32x20x5x128xf32>,
    return
  }
  func.func @transform_0(%arg0: i32) -> (i32, i32) {
    %c0_i32 = arith.constant 0 : i32
    %c0_i32_0 = arith.constant 0 : i32
    return %arg0, %c0_i32 : i32, i32
  }
  func.func @transform_1(%arg0: i32) -> (i32, i32) {
    %c0_i32 = arith.constant 0 : i32
    %c0_i32_0 = arith.constant 0 : i32
    return %arg0, %c0_i32 : i32, i32
  }
  func.func @transform_2(%arg0: i32) -> (i32, i32) {
    %c0_i32 = arith.constant 0 : i32
    %c0_i32_0 = arith.constant 0 : i32
    return %arg0, %c0_i32 : i32, i32
  }
  func.func @transform_3(%arg0: i32) -> (i32, i32) {
    %c0_i32 = arith.constant 0 : i32
    %c0_i32_0 = arith.constant 0 : i32
    %c0_i32_1 = arith.constant 0 : i32
    return %c0_i32, %c0_i32_0 : i32, i32
  }
  func.func @transform_4(%arg0: i32) -> (i32, i32) {
    %c0_i32 = arith.constant 0 : i32
    %c0_i32_0 = arith.constant 0 : i32
    %c0_i32_1 = arith.constant 0 : i32
    return %c0_i32, %c0_i32_0 : i32, i32
  }
  func.func @transform_5(%arg0: i32) -> (i32, i32) {
    %c0_i32 = arith.constant 0 : i32
    %c0_i32_0 = arith.constant 0 : i32
    %c0_i32_1 = arith.constant 0 : i32
    return %c0_i32, %c0_i32_0 : i32, i32
  }
  func.func @transform_6(%arg0: i32) -> (i32, i32) {
    %c0_i32 = arith.constant 0 : i32
    %c0_i32_0 = arith.constant 0 : i32
    %c0_i32_1 = arith.constant 0 : i32
    return %c0_i32, %c0_i32_0 : i32, i32
  }
  func.func @transform_7(%arg0: i32) -> (i32, i32, i32, i32) {
    %c0_i32 = arith.constant 0 : i32
    %c0_i32_0 = arith.constant 0 : i32
    %c0_i32_1 = arith.constant 0 : i32
    %c0_i32_2 = arith.constant 0 : i32
    return %arg0, %c0_i32, %c0_i32_0, %c0_i32_1 : i32, i32, i32, i32
  }
}

</mosaic_0001>

<sc_bundles>
// kernel: kernel.4.cloned.1.call-start
scs
__scs_entry_jumppad:
0x0: {  	(pc) =	sbr.rel $0x88, $3  }
0x1: {  	(tag) =	ssettag $0x0;
	lr =	simm.s32 $0x1  }
0x2: {  	[smem:$0x3F9B] =	sst lr;
	_ =	strace $0xD0000000  }
0x3: {  	_ = 	snop  }
0x4: {  	_ = 	snop  }
0x5: {  	_ = 	snop  }
0x6: {  	_ = 	snop  }
0x7: {  	_ = 	snop  }
__scs_overlays_trampoline_lowered:
0x8: {  	[smem:$0x3FAA] =	sst s0  }
0x9: {  	[smem:$0x3FAB] =	sst s1  }
0xa: {  	[smem:$0x3FAC] =	sst s2  }
0xb: {  	[smem:$0x3FAD] =	sst s3  }
0xc: {  	[smem:$0x3FAE] =	sst s4  }
0xd: {  	[smem:$0x3FAF] =	sst s5  }
0xe: {  	[smem:$0x3FB0] =	sst s6  }
0xf: {  	[smem:$0x3FB1] =	sst s7  }
0x10: {  	[smem:$0x3FB2] =	sst s8  }
0x11: {  	[smem:$0x3FB3] =	sst s9;
	s0 =	simm.s32 @!p0 $0x0  }
0x12: {  	s1 =	sld [smem:$0x3F99];
	s0 =	simm.s32 @p0 $0x1  }
0x13: {  	[smem:$0x3FB4] =	sst s0;
	s0 =	simm.s32 @!p1 $0x0  }
0x14: {  	s2 =	sld [smem:$0x3F98];
	s0 =	simm.s32 @p1 $0x1  }
0x15: {  	[smem:$0x3FB5] =	sst s0;
	s0 =	simm.s32 @!p2 $0x0  }
0x16: {  	s3 =	sld [smem:$0x3FDB];
	s0 =	simm.s32 @p2 $0x1  }
0x17: {  	s4 =	simm.s32 $0x1BF5;
	[smem:$0x3FB7] =	sst s0  }
0x18: {  	s0 =	sld [smem:$0x3F9A];
	_ =	swait.ge [sflag:s4], $0x0  }
0x19: {  	s7 =	sld [smem:$0x3F9B]  }
0x1a: {  	s8 =	sadd.s32 $0xFFFFE003, lr  }
0x1b: {  	s9 =	sadd.s32 $0xFFFFFEF7, lr;
	s5 =	simm.s32 $0xFFFFFFFF;
	p2 =	slt.u32 s8, $0xFFFFF086  }
0x1c: {  	p1 =	slt.u32 s9, $0xF7A;
	s5 =	simm.s32 @!p2 $0x0  }
0x1d: {  	s5 =	simm.s32 @p1 $0x1;
	p0 =	seq.s32 s7, s2  }
0x1e: {  	s7 =	smul.u32 @!p0 $0xF7A, s2;
	p2 =	seq.s32 @!p0 s5, $0x0  }
0x1f: {  	s9 =	smul.u32 $0xF7A, s1;
	s8 =	simm.s32 @!p0 $0x1BF5;
	p2 =	por !p2, p0  }
0x20: {  	[sflag:s8] =	ssyncset.s32 @!p0 $0xFFFFF086;
	s6 =	sadd.s32 @!p0 s3, s7;
	s7 =	simm.s32 @!p0 $0x108  }
0x21: {  	s3 =	sadd.s32 s3, s9;
	s6 =	sadd.s32 @!p0 $0x88, s6;
	s7 =	simm.s32 @p2 $0x1082  }
0x22: {  	[simem:s7], [sflag:s8] =	dma.local @!p0 [hbm:s6], $0xF7A  }
0x23: {  	s9 =	sor.u32 $0xD0000000, s2;
	s6 =	simm.s32 $0x108;
	_ =	swait.ge @!p0 [sflag:s8], $0x0  }
0x24: {  	s3 =	sadd.s32 $0x88, s3;
	s6 =	simm.s32 @!p1 $0x1082;
	[sflag:s4] =	ssyncset.s32 $0xFFFFF086  }
0x25: {  	[simem:s6], [sflag:s4] =	dma.local [hbm:s3], $0xF7A  }
0x26: {  	[smem:$0x3F9B] =	sst s1;
	(tag) =	ssettag s2;
	_ =	strace s9  }
0x27: {  	s1 =	sld [smem:$0x3FAB]  }
0x28: {  	s2 =	sld [smem:$0x3FAC]  }
0x29: {  	s4 =	sld [smem:$0x3FAE]  }
0x2a: {  	p0 =	seq.s32 s5, $0x0;
	s5 =	sld [smem:$0x3FAF]  }
0x2b: {  	s6 =	sld [smem:$0x3FB0]  }
0x2c: {  	s7 =	sld [smem:$0x3FB1]  }
0x2d: {  	s3 =	simm.s32 $0x108;
	s8 =	sld [smem:$0x3FB2]  }
0x2e: {  	s3 =	simm.s32 @!p0 $0x1082;
	s9 =	sld [smem:$0x3FB3]  }
0x2f: {  	lr =	sadd.s32 s0, s3;
	s0 =	sld [smem:$0x3FAA]  }
0x30: {  	s3 =	sld [smem:$0x3FAD]  }
0x31: {  	[smem:$0x3FB6] =	sst s10  }
0x32: {  	s10 =	sld [smem:$0x3FB4];
	_ =	sdelay $0x3  }
0x33: {  	p0 =	seq.s32 s10, $0x1;
	s10 =	sld [smem:$0x3FB6];
	_ =	sdelay $0x3  }
0x34: {  	[smem:$0x3FB6] =	sst s10  }
0x35: {  	s10 =	sld [smem:$0x3FB5];
	_ =	sdelay $0x3  }
0x36: {  	p1 =	seq.s32 s10, $0x1;
	s10 =	sld [smem:$0x3FB6];
	_ =	sdelay $0x3  }
0x37: {  	[smem:$0x3FB6] =	sst s10  }
0x38: {  	s10 =	sld [smem:$0x3FB7]  }
0x39: {  	_ = 	snop;
	(pc) =	sbr.ind lr, $3  }
0x3a: {  	_ = 	snop  }
0x3b: {  	_ = 	snop  }
0x3c: {  	p2 =	seq.s32 s10, $0x1;
	s10 =	sld [smem:$0x3FB6]  }
0x3d: {  	_ =	shalt  }
0x3e: {  	_ =	shalt  }
0x3f: {  	_ =	shalt  }
0x40: {  	_ =	shalt  }
0x41: {  	_ =	shalt  }
0x42: {  	_ =	shalt  }
0x43: {  	_ =	shalt  }
0x44: {  	_ =	shalt  }
0x45: {  	_ =	shalt  }
0x46: {  	_ =	shalt  }
0x47: {  	_ =	shalt  }
0x48: {  	_ =	shalt  }
0x49: {  	_ =	shalt  }
0x4a: {  	_ =	shalt  }
0x4b: {  	_ =	shalt  }
0x4c: {  	_ =	shalt  }
0x4d: {  	_ =	shalt  }
0x4e: {  	_ =	shalt  }
0x4f: {  	_ =	shalt  }
0x50: {  	_ =	shalt  }
0x51: {  	_ =	shalt  }
0x52: {  	_ =	shalt  }
0x53: {  	_ =	shalt  }
0x54: {  	_ =	shalt  }
0x55: {  	_ =	shalt  }
0x56: {  	_ =	shalt  }
0x57: {  	_ =	shalt  }
0x58: {  	_ =	shalt  }
0x59: {  	_ =	shalt  }
0x5a: {  	_ =	shalt  }
0x5b: {  	_ =	shalt  }
0x5c: {  	_ =	shalt  }
0x5d: {  	_ =	shalt  }
0x5e: {  	_ =	shalt  }
0x5f: {  	_ =	shalt  }
0x60: {  	_ =	shalt  }
0x61: {  	_ =	shalt  }
0x62: {  	_ =	shalt  }
0x63: {  	_ =	shalt  }
0x64: {  	_ =	shalt  }
0x65: {  	_ =	shalt  }
0x66: {  	_ =	shalt  }
0x67: {  	_ =	shalt  }
0x68: {  	_ =	shalt  }
0x69: {  	_ =	shalt  }
0x6a: {  	_ =	shalt  }
0x6b: {  	_ =	shalt  }
0x6c: {  	_ =	shalt  }
0x6d: {  	_ =	shalt  }
0x6e: {  	_ =	shalt  }
0x6f: {  	_ =	shalt  }
0x70: {  	_ =	shalt  }
0x71: {  	_ =	shalt  }
0x72: {  	_ =	shalt  }
0x73: {  	_ =	shalt  }
0x74: {  	_ =	shalt  }
0x75: {  	_ =	shalt  }
0x76: {  	_ =	shalt  }
0x77: {  	_ =	shalt  }
0x78: {  	_ =	shalt  }
0x79: {  	_ =	shalt  }
0x7a: {  	_ =	shalt  }
0x7b: {  	_ =	shalt  }
0x7c: {  	_ =	shalt  }
0x7d: {  	_ =	shalt  }
0x7e: {  	_ =	shalt  }
0x7f: {  	_ =	shalt  }
0x80: {  	_ =	shalt  }
0x81: {  	_ =	shalt  }
0x82: {  	_ =	shalt  }
0x83: {  	_ =	shalt  }
0x84: {  	_ =	shalt  }
0x85: {  	_ =	shalt  }
0x86: {  	_ =	shalt  }
0x87: {  	_ =	shalt  }
.Lfunc_end0:
.L_simem_size_0:
called_computation_lowered:
.L_overlay_start_0:
0x88: {  	s2 =	sld [smem:$0x3FD9]  }
0x89: {  	s3 =	sld [smem:$0x3FFE];
	_ =	sdelay $0x1  }
0x8a: {  	s1 =	srdreg.scid  }
0x8b: {  	s0 =	sand.u32 $0x1, s1  }
0x8c: {  	s17 =	sshll.u32 s0, $0xA;
	s2 =	sadd.s32 s3, s2  }
0x8d: {  	s2 =	sadd.s32 s2, s17  }
0x8e: {  	[smem:$0x3FC2] =	sst s2  }
0x8f: {  	_ = 	snop  }
0x90: {  	s2 =	sld [smem:$0x3FC7]  }
0x91: {  	s18 =	sld [smem:$0x3FD0];
	(tm) =	ssettm $0x1  }
0x92: {  	s4 =	sld [smem:$0x3FFB];
	_ =	sdelay $0x3  }
0x93: {  	_ =	strace s4  }
0x94: {  	s4 =	sld [smem:$0x3FFC];
	_ =	sdelay $0x3  }
0x95: {  	_ =	strace s4  }
0x96: {  	s4 =	sld [smem:$0x3FFD];
	_ =	sdelay $0x3  }
0x97: {  	_ =	strace s4  }
0x98: {  	_ =	strace $0x8FFFFFFF  }
0x99: {  	s19 =	sld [smem:$0x3FDB];
	_ =	sdelay $0x1  }
0x9a: {  	s5 =	simm.s32 $_scs_section_size  }
0x9b: {  	s6 =	simm.s32 $_size__tile_overlayer_lowered;
	s7 =	simm.s32 $_tile_overlayer_lowered  }
0x9c: {  	s22 =	simm.s32 $0x1BFF;
	s21 =	sshll.u32 s7, $0x1;
	s4 =	sadd.s32 s5, s19  }
0x9d: {  	s8 =	simm.s32 $0x0;
	s20 =	sshll.u32 s6, $0x1;
	s6 =	sadd.s32 s21, s4  }
0x9e: {  	[timem:s8], [sflag:s22] =	dma.local [hbm:s6], s20  }
0x9f: {  	_ =	swait.ge [sflag:s22], s20  }
0xa0: {  	s5 =	ssub.s32 $0x0, s20;
	[sflag:s22] =	ssyncset.done $0x0  }
0xa1: {  	[sflag:s22] =	ssyncadd.s32 s5;
	_ =	sdelay $0x1  }
0xa2: {  	s23 =	simm.s32 $0x1B8B  }
0xa3: {  	_ =	swait.ge [sflag:s23], $0x1  }
0xa4: {  	[sflag:s23] =	ssyncset.done $0x0  }
0xa5: {  	s25 =	simm.s32 $0x1B8E;
	s24 =	sld [smem:$0x3FFE];
	[sflag:s23] =	ssyncadd.s32 $0xFFFFFFFF  }
0xa6: {  	s26 =	simm.s32 $execute0_lowered;
	[smem:$0x3FD2] =	sst s25  }
0xa7: {  	s6 =	sshll.u32 s26, $0x1;
	_ =	strace $0x80000046;
	[dreg:$0x1] =	wrdreg $0xFFFFFFFF  }
0xa8: {  	s28 =	simm.s32 $_size_execute0_lowered;
	s4 =	sadd.s32 s4, s6;
	[dreg:$0x0] =	wrdreg $0x0  }
0xa9: {  	s6 =	sshll.u32 s28, $0x1;
	[dreg:$0x2] =	wrdreg s4  }
0xaa: {  	[dreg:$0x3] =	wrdreg s6  }
0xab: {  	[dreg:$0x4] =	wrdreg $0xC0  }
0xac: {  	_ =	task [dreg:s8], $0x5FFFF  }
0xad: {  	[dreg:$0x1] =	wrdreg $0xFFFFFFFF  }
0xae: {  	[dreg:$0x0] =	wrdreg $0x60  }
0xaf: {  	[dreg:$0x2] =	wrdreg s18  }
0xb0: {  	[dreg:$0x3] =	wrdreg s24  }
0xb1: {  	[dreg:$0x4] =	wrdreg s2  }
0xb2: {  	[dreg:$0x5] =	wrdreg $0x9  }
0xb3: {  	_ =	task.clear_ibuf [dreg:s8], $0x6FFFF;
	_ =	strace $0x90000046  }
0xb4: {  	s29 =	simm.s32 $0x9;
	_ =	strace $0x80000048  }
0xb5: {  	_ =	swait.ge [sflag:s29], $0x1  }
0xb6: {  	[sflag:s29] =	ssyncadd.s32 $0xFFFFFFFF  }
0xb7: {  	_ =	strace $0x90000048  }
0xb8: {  	_ =	sfence  }
0xb9: {  	s30 =	sld [smem:$0x0];
	_ =	sdelay $0x2  }
0xba: {  	s31 =	sshll.u32 s1, $0xD;
	s1 =	sshrl.u32 s1, $0x2  }
0xbb: {  	s3 =	sand.u32 $0x4000, s31;
	s1 =	sadd.s32 s1, s30  }
0xbc: {  	s0 =	sor.u32 s3, s0;
	s1 =	sshll.u32 s1, $0x11  }
0xbd: {  	s0 =	sor.u32 s1, s0  }
0xbe: {  	s0 =	sadd.s32 $0x8F2B, s0  }
0xbf: {  	[sflag:s0] =	ssyncadd.remote.s32 $0x1  }
0xc0: {  	_ =	sfence.sel $0xFFFF  }
0xc1: {  	[dreg:$0x0] =	wrdreg $0xFFFFFFFF;
	(pc) =	sbr.abs _section_cstart, $3  }
0xc2: {  	[dreg:$0x1] =	wrdreg $0xFFFFFFFF  }
0xc3: {  	_ =	task.clear_ibuf [dreg:s8], $0x2FFFF;
	_ =	strace $0x9FFFFFFF  }
0xc4: {  	(tm) =	ssettm $0x7FFFFFFF  }
0xc5: {  	_ =	shalt  }
tec
execute0_lowered:
.L_overlay_start_1:
0x0: {  	(tag) =	ssettag $0x1  }
0x1: {  	s1 =	srdreg.scid;
	s0 =	stileid.u32  }
0x2: {  	s28 =	sand.u32 $0x1, s1;
	s30 =	sshll.u32 s0, $0x1  }
0x3: {  	s24 =	rddreg [dreg:$0x0];
	s14 =	sor.u32 s28, s30  }
0x4: {  	s15 =	rddreg [dreg:$0x1];
	s25 =	smul.u32 $0xC80, s14  }
0x5: {  	s2 =	rddreg [dreg:$0x2];
	s3 =	simm.s32 $0x0  }
0x6: {  	[smem:$0x7FF] =	sst s3;
	s16 =	sshrl.u32 s25, $0x3  }
0x7: {  	s4 =	simm.s32 $0x3;
	_ =	strace $0x80000047;
	s5 =	sadd.s32 s24, s16  }
0x8: {  	[tilespmem:s3], [sflag:$0x3] =	stream.linear.gather [hbm4b:s5+s3], $0x320, $0x38;
	[tilespmem:$0x19A80] =	vst v63  }
0x9: {  	_ =	swait.ge [sflag:s4], $0x320  }
0xa: {  	s26 =	sadd.s32 $0x1400, s15;
	[sflag:s4] =	ssyncset.done $0x0  }
0xb: {  	s7 =	simm.s32 $0x380;
	s6 =	sadd.s32 s26, s16;
	[sflag:s4] =	ssyncadd.s32 $0xFFFFFCE0  }
0xc: {  	[tilespmem:s7], [sflag:$0x3] =	stream.linear.gather [hbm4b:s6+s3], $0x320, $0x38;
	[tilespmem:$0x19A80] =	vst v63  }
0xd: {  	_ =	swait.ge [sflag:s4], $0x320  }
0xe: {  	s9 =	simm.s32 $0x320;
	[sflag:s4] =	ssyncset.done $0x0  }
0xf: {  	s10 =	simm.s32 $0x700;
	s8 =	sadd.s32 $0xF46A00, s15;
	[sflag:s4] =	ssyncadd.s32 $0xFFFFFCE0  }
0x10: {  	[tilespmem:s10], [sflag:$0x1] =	stream.indirect.gather [hbm4b:s8+s9], $0x80, s3, s9, $0xb8;
	[tilespmem:$0x19A80] =	vst v63  }
0x11: {  	s11 =	simm.s32 $0x19700;
	s12 =	simm.s32 $0x1  }
0x12: {  	[tilespmem:s11], [sflag:$0x2] =	stream.indirect.gather [hbm4b:s2+s9], $0x1, s7, s9, $0xb8;
	[tilespmem:$0x19A80] =	vst v63  }
0x13: {  	_ =	swait.ge [sflag:s12], $0x19000  }
0x14: {  	[sflag:s12] =	ssyncset.done $0x0  }
0x15: {  	s13 =	simm.s32 $0x2;
	[sflag:s12] =	ssyncadd.s32 $0xFFFE7000  }
0x16: {  	s14 =	smul.u32 $0xC800, s14;
	_ =	swait.ge [sflag:s13], $0x320  }
0x17: {  	s30 =	sadd.s32 $0x7800, s15;
	[sflag:s13] =	ssyncset.done $0x0  }
0x18: {  	s14 =	sadd.s32 s30, s14;
	[sflag:s13] =	ssyncadd.s32 $0xFFFFFCE0  }
0x19: {  	[hbm4b:s14+s3] =	stream.linear.scatter [tilespmem:s10], [sflag:$0x3], $0x19000, $0x38;
	[tilespmem:$0x19A80] =	vst v63  }
0x1a: {  	_ =	swait.ge [sflag:s4], $0x19000  }
0x1b: {  	s29 =	sadd.s32 $0x4600, s15;
	[sflag:s4] =	ssyncset.done $0x0  }
0x1c: {  	s15 =	sadd.s32 s29, s16;
	[sflag:s4] =	ssyncadd.s32 $0xFFFE7000  }
0x1d: {  	[hbm4b:s15+s3] =	stream.linear.scatter [tilespmem:s11], [sflag:$0x3], $0x320, $0x38;
	[tilespmem:$0x19A80] =	vst v63  }
0x1e: {  	s18 =	sadd.s32 $0x320, s25;
	_ =	swait.ge [sflag:s4], $0x320  }
0x1f: {  	s19 =	sshrl.u32 s18, $0x3;
	[sflag:s4] =	ssyncset.done $0x0  }
0x20: {  	s16 =	sadd.s32 s24, s19;
	[sflag:s4] =	ssyncadd.s32 $0xFFFFFCE0  }
0x21: {  	[tilespmem:s3], [sflag:$0x3] =	stream.linear.gather [hbm4b:s16+s3], $0x320, $0x38;
	[tilespmem:$0x19A80] =	vst v63  }
0x22: {  	_ =	swait.ge [sflag:s4], $0x320  }
0x23: {  	[sflag:s4] =	ssyncset.done $0x0  }
0x24: {  	s17 =	sadd.s32 s26, s19;
	[sflag:s4] =	ssyncadd.s32 $0xFFFFFCE0  }
0x25: {  	[tilespmem:s7], [sflag:$0x3] =	stream.linear.gather [hbm4b:s17+s3], $0x320, $0x38;
	[tilespmem:$0x19A80] =	vst v63  }
0x26: {  	_ =	swait.ge [sflag:s4], $0x320  }
0x27: {  	[sflag:s4] =	ssyncset.done $0x0  }
0x28: {  	[sflag:s4] =	ssyncadd.s32 $0xFFFFFCE0  }
0x29: {  	[tilespmem:s10], [sflag:$0x1] =	stream.indirect.gather [hbm4b:s8+s9], $0x80, s3, s9, $0xb8;
	[tilespmem:$0x19A80] =	vst v63  }
0x2a: {  	_ = 	snop  }
0x2b: {  	[tilespmem:s11], [sflag:$0x2] =	stream.indirect.gather [hbm4b:s2+s9], $0x1, s7, s9, $0xb8;
	[tilespmem:$0x19A80] =	vst v63  }
0x2c: {  	_ =	swait.ge [sflag:s12], $0x19000  }
0x2d: {  	[sflag:s12] =	ssyncset.done $0x0  }
0x2e: {  	[sflag:s12] =	ssyncadd.s32 $0xFFFE7000  }
0x2f: {  	_ =	swait.ge [sflag:s13], $0x320  }
0x30: {  	s18 =	sshll.u32 s18, $0x4;
	[sflag:s13] =	ssyncset.done $0x0  }
0x31: {  	s18 =	sadd.s32 s30, s18;
	[sflag:s13] =	ssyncadd.s32 $0xFFFFFCE0  }
0x32: {  	[hbm4b:s18+s3] =	stream.linear.scatter [tilespmem:s10], [sflag:$0x3], $0x19000, $0x38;
	[tilespmem:$0x19A80] =	vst v63  }
0x33: {  	_ =	swait.ge [sflag:s4], $0x19000  }
0x34: {  	[sflag:s4] =	ssyncset.done $0x0  }
0x35: {  	s19 =	sadd.s32 s29, s19;
	[sflag:s4] =	ssyncadd.s32 $0xFFFE7000  }
0x36: {  	[hbm4b:s19+s3] =	stream.linear.scatter [tilespmem:s11], [sflag:$0x3], $0x320, $0x38;
	[tilespmem:$0x19A80] =	vst v63  }
0x37: {  	s22 =	sadd.s32 $0x640, s25;
	_ =	swait.ge [sflag:s4], $0x320  }
0x38: {  	s23 =	sshrl.u32 s22, $0x3;
	[sflag:s4] =	ssyncset.done $0x0  }
0x39: {  	s20 =	sadd.s32 s24, s23;
	[sflag:s4] =	ssyncadd.s32 $0xFFFFFCE0  }
0x3a: {  	[tilespmem:s3], [sflag:$0x3] =	stream.linear.gather [hbm4b:s20+s3], $0x320, $0x38;
	[tilespmem:$0x19A80] =	vst v63  }
0x3b: {  	_ =	swait.ge [sflag:s4], $0x320  }
0x3c: {  	[sflag:s4] =	ssyncset.done $0x0  }
0x3d: {  	s21 =	sadd.s32 s26, s23;
	[sflag:s4] =	ssyncadd.s32 $0xFFFFFCE0  }
0x3e: {  	[tilespmem:s7], [sflag:$0x3] =	stream.linear.gather [hbm4b:s21+s3], $0x320, $0x38;
	[tilespmem:$0x19A80] =	vst v63  }
0x3f: {  	_ =	swait.ge [sflag:s4], $0x320  }
0x40: {  	[sflag:s4] =	ssyncset.done $0x0  }
0x41: {  	[sflag:s4] =	ssyncadd.s32 $0xFFFFFCE0  }
0x42: {  	[tilespmem:s10], [sflag:$0x1] =	stream.indirect.gather [hbm4b:s8+s9], $0x80, s3, s9, $0xb8;
	[tilespmem:$0x19A80] =	vst v63  }
0x43: {  	_ = 	snop  }
0x44: {  	[tilespmem:s11], [sflag:$0x2] =	stream.indirect.gather [hbm4b:s2+s9], $0x1, s7, s9, $0xb8;
	[tilespmem:$0x19A80] =	vst v63  }
0x45: {  	_ =	swait.ge [sflag:s12], $0x19000  }
0x46: {  	[sflag:s12] =	ssyncset.done $0x0  }
0x47: {  	[sflag:s12] =	ssyncadd.s32 $0xFFFE7000  }
0x48: {  	_ =	swait.ge [sflag:s13], $0x320  }
0x49: {  	s22 =	sshll.u32 s22, $0x4;
	[sflag:s13] =	ssyncset.done $0x0  }
0x4a: {  	s22 =	sadd.s32 s30, s22;
	[sflag:s13] =	ssyncadd.s32 $0xFFFFFCE0  }
0x4b: {  	[hbm4b:s22+s3] =	stream.linear.scatter [tilespmem:s10], [sflag:$0x3], $0x19000, $0x38;
	[tilespmem:$0x19A80] =	vst v63  }
0x4c: {  	_ =	swait.ge [sflag:s4], $0x19000  }
0x4d: {  	[sflag:s4] =	ssyncset.done $0x0  }
0x4e: {  	s23 =	sadd.s32 s29, s23;
	[sflag:s4] =	ssyncadd.s32 $0xFFFE7000  }
0x4f: {  	[hbm4b:s23+s3] =	stream.linear.scatter [tilespmem:s11], [sflag:$0x3], $0x320, $0x38;
	[tilespmem:$0x19A80] =	vst v63  }
0x50: {  	s31 =	sadd.s32 $0x960, s25;
	_ =	swait.ge [sflag:s4], $0x320  }
0x51: {  	s1 =	sshrl.u32 s31, $0x3;
	[sflag:s4] =	ssyncset.done $0x0  }
0x52: {  	s24 =	sadd.s32 s24, s1;
	[sflag:s4] =	ssyncadd.s32 $0xFFFFFCE0  }
0x53: {  	[tilespmem:s3], [sflag:$0x3] =	stream.linear.gather [hbm4b:s24+s3], $0x320, $0x38;
	[tilespmem:$0x19A80] =	vst v63  }
0x54: {  	_ =	swait.ge [sflag:s4], $0x320  }
0x55: {  	[sflag:s4] =	ssyncset.done $0x0  }
0x56: {  	s25 =	sadd.s32 s26, s1;
	[sflag:s4] =	ssyncadd.s32 $0xFFFFFCE0  }
0x57: {  	[tilespmem:s7], [sflag:$0x3] =	stream.linear.gather [hbm4b:s25+s3], $0x320, $0x38;
	[tilespmem:$0x19A80] =	vst v63  }
0x58: {  	_ =	swait.ge [sflag:s4], $0x320  }
0x59: {  	[sflag:s4] =	ssyncset.done $0x0  }
0x5a: {  	[sflag:s4] =	ssyncadd.s32 $0xFFFFFCE0  }
0x5b: {  	[tilespmem:s10], [sflag:$0x1] =	stream.indirect.gather [hbm4b:s8+s9], $0x80, s3, s9, $0xb8;
	[tilespmem:$0x19A80] =	vst v63  }
0x5c: {  	_ = 	snop  }
0x5d: {  	[tilespmem:s11], [sflag:$0x2] =	stream.indirect.gather [hbm4b:s2+s9], $0x1, s7, s9, $0xb8;
	[tilespmem:$0x19A80] =	vst v63  }
0x5e: {  	_ =	swait.ge [sflag:s12], $0x19000  }
0x5f: {  	[sflag:s12] =	ssyncset.done $0x0  }
0x60: {  	s28 =	ssub.s32 $0x2, s28;
	s31 =	sshll.u32 s31, $0x4;
	[sflag:s12] =	ssyncadd.s32 $0xFFFE7000  }
0x61: {  	s26 =	sadd.s32 s30, s31;
	s31 =	sshrl.u32 s28, $0x1;
	_ =	swait.ge [sflag:s13], $0x320  }
0x62: {  	s30 =	ssub.s32 s28, s31;
	[sflag:s13] =	ssyncset.done $0x0  }
0x63: {  	s31 =	smax.u32 s30, $0x1;
	[sflag:s13] =	ssyncadd.s32 $0xFFFFFCE0  }
0x64: {  	[hbm4b:s26+s3] =	stream.linear.scatter [tilespmem:s10], [sflag:$0x3], $0x19000, $0x38;
	[tilespmem:$0x19A80] =	vst v63  }
0x65: {  	p0 =	sne.s32 s31, $0x1;
	_ =	swait.ge [sflag:s4], $0x19000  }
.Ltmp0:
0x66: {  	[sflag:s4] =	ssyncset.done $0x0;
	(pc) =	sbr.rel @!p0 .LBB2_2-.Ltmp0, $4  }
0x67: {  	s28 =	sadd.s32 s29, s1;
	[sflag:s4] =	ssyncadd.s32 $0xFFFE7000  }
0x68: {  	[hbm4b:s28+s3] =	stream.linear.scatter [tilespmem:s11], [sflag:$0x3], $0x320, $0x38;
	[tilespmem:$0x19A80] =	vst v63  }
0x69: {  	_ =	swait.ge [sflag:s4], $0x320  }
0x6a: {  	s29 =	sadd.s32 $0xFFFFFFFF, s31;
	[sflag:s4] =	ssyncset.done $0x0  }
.LBB2_1:
0x6b: {  	p0 =	sne.s32 s29, $0x1;
	s29 =	sadd.s32 $0xFFFFFFFF, s29;
	[sflag:s4] =	ssyncadd.s32 $0xFFFFFCE0  }
0x6c: {  	[tilespmem:s3], [sflag:$0x3] =	stream.linear.gather [hbm4b:s5+s3], $0x320, $0x38;
	[tilespmem:$0x19A80] =	vst v63  }
0x6d: {  	_ =	swait.ge [sflag:s4], $0x320  }
0x6e: {  	[sflag:s4] =	ssyncset.done $0x0  }
0x6f: {  	[sflag:s4] =	ssyncadd.s32 $0xFFFFFCE0  }
0x70: {  	[tilespmem:s7], [sflag:$0x3] =	stream.linear.gather [hbm4b:s6+s3], $0x320, $0x38;
	[tilespmem:$0x19A80] =	vst v63  }
0x71: {  	_ =	swait.ge [sflag:s4], $0x320  }
0x72: {  	[sflag:s4] =	ssyncset.done $0x0  }
0x73: {  	[sflag:s4] =	ssyncadd.s32 $0xFFFFFCE0  }
0x74: {  	[tilespmem:s10], [sflag:$0x1] =	stream.indirect.gather [hbm4b:s8+s9], $0x80, s3, s9, $0xb8;
	[tilespmem:$0x19A80] =	vst v63  }
0x75: {  	_ = 	snop  }
0x76: {  	[tilespmem:s11], [sflag:$0x2] =	stream.indirect.gather [hbm4b:s2+s9], $0x1, s7, s9, $0xb8;
	[tilespmem:$0x19A80] =	vst v63  }
0x77: {  	_ =	swait.ge [sflag:s12], $0x19000  }
0x78: {  	[sflag:s12] =	ssyncset.done $0x0  }
0x79: {  	[sflag:s12] =	ssyncadd.s32 $0xFFFE7000  }
0x7a: {  	_ =	swait.ge [sflag:s13], $0x320  }
0x7b: {  	[sflag:s13] =	ssyncset.done $0x0  }
0x7c: {  	[sflag:s13] =	ssyncadd.s32 $0xFFFFFCE0  }
0x7d: {  	[hbm4b:s14+s3] =	stream.linear.scatter [tilespmem:s10], [sflag:$0x3], $0x19000, $0x38;
	[tilespmem:$0x19A80] =	vst v63  }
0x7e: {  	_ =	swait.ge [sflag:s4], $0x19000  }
0x7f: {  	[sflag:s4] =	ssyncset.done $0x0  }
0x80: {  	[sflag:s4] =	ssyncadd.s32 $0xFFFE7000  }
0x81: {  	[hbm4b:s15+s3] =	stream.linear.scatter [tilespmem:s11], [sflag:$0x3], $0x320, $0x38;
	[tilespmem:$0x19A80] =	vst v63  }
0x82: {  	_ =	swait.ge [sflag:s4], $0x320  }
0x83: {  	[sflag:s4] =	ssyncset.done $0x0  }
0x84: {  	[sflag:s4] =	ssyncadd.s32 $0xFFFFFCE0  }
0x85: {  	[tilespmem:s3], [sflag:$0x3] =	stream.linear.gather [hbm4b:s16+s3], $0x320, $0x38;
	[tilespmem:$0x19A80] =	vst v63  }
0x86: {  	_ =	swait.ge [sflag:s4], $0x320  }
0x87: {  	[sflag:s4] =	ssyncset.done $0x0  }
0x88: {  	[sflag:s4] =	ssyncadd.s32 $0xFFFFFCE0  }
0x89: {  	[tilespmem:s7], [sflag:$0x3] =	stream.linear.gather [hbm4b:s17+s3], $0x320, $0x38;
	[tilespmem:$0x19A80] =	vst v63  }
0x8a: {  	_ =	swait.ge [sflag:s4], $0x320  }
0x8b: {  	[sflag:s4] =	ssyncset.done $0x0  }
0x8c: {  	[sflag:s4] =	ssyncadd.s32 $0xFFFFFCE0  }
0x8d: {  	[tilespmem:s10], [sflag:$0x1] =	stream.indirect.gather [hbm4b:s8+s9], $0x80, s3, s9, $0xb8;
	[tilespmem:$0x19A80] =	vst v63  }
0x8e: {  	_ = 	snop  }
0x8f: {  	[tilespmem:s11], [sflag:$0x2] =	stream.indirect.gather [hbm4b:s2+s9], $0x1, s7, s9, $0xb8;
	[tilespmem:$0x19A80] =	vst v63  }
0x90: {  	_ =	swait.ge [sflag:s12], $0x19000  }
0x91: {  	[sflag:s12] =	ssyncset.done $0x0  }
0x92: {  	[sflag:s12] =	ssyncadd.s32 $0xFFFE7000  }
0x93: {  	_ =	swait.ge [sflag:s13], $0x320  }
0x94: {  	[sflag:s13] =	ssyncset.done $0x0  }
0x95: {  	[sflag:s13] =	ssyncadd.s32 $0xFFFFFCE0  }
0x96: {  	[hbm4b:s18+s3] =	stream.linear.scatter [tilespmem:s10], [sflag:$0x3], $0x19000, $0x38;
	[tilespmem:$0x19A80] =	vst v63  }
0x97: {  	_ =	swait.ge [sflag:s4], $0x19000  }
0x98: {  	[sflag:s4] =	ssyncset.done $0x0  }
0x99: {  	[sflag:s4] =	ssyncadd.s32 $0xFFFE7000  }
0x9a: {  	[hbm4b:s19+s3] =	stream.linear.scatter [tilespmem:s11], [sflag:$0x3], $0x320, $0x38;
	[tilespmem:$0x19A80] =	vst v63  }
0x9b: {  	_ =	swait.ge [sflag:s4], $0x320  }
0x9c: {  	[sflag:s4] =	ssyncset.done $0x0  }
0x9d: {  	[sflag:s4] =	ssyncadd.s32 $0xFFFFFCE0  }
0x9e: {  	[tilespmem:s3], [sflag:$0x3] =	stream.linear.gather [hbm4b:s20+s3], $0x320, $0x38;
	[tilespmem:$0x19A80] =	vst v63  }
0x9f: {  	_ =	swait.ge [sflag:s4], $0x320  }
0xa0: {  	[sflag:s4] =	ssyncset.done $0x0  }
0xa1: {  	[sflag:s4] =	ssyncadd.s32 $0xFFFFFCE0  }
0xa2: {  	[tilespmem:s7], [sflag:$0x3] =	stream.linear.gather [hbm4b:s21+s3], $0x320, $0x38;
	[tilespmem:$0x19A80] =	vst v63  }
0xa3: {  	_ =	swait.ge [sflag:s4], $0x320  }
0xa4: {  	[sflag:s4] =	ssyncset.done $0x0  }
0xa5: {  	[sflag:s4] =	ssyncadd.s32 $0xFFFFFCE0  }
0xa6: {  	[tilespmem:s10], [sflag:$0x1] =	stream.indirect.gather [hbm4b:s8+s9], $0x80, s3, s9, $0xb8;
	[tilespmem:$0x19A80] =	vst v63  }
0xa7: {  	_ = 	snop  }
0xa8: {  	[tilespmem:s11], [sflag:$0x2] =	stream.indirect.gather [hbm4b:s2+s9], $0x1, s7, s9, $0xb8;
	[tilespmem:$0x19A80] =	vst v63  }
0xa9: {  	_ =	swait.ge [sflag:s12], $0x19000  }
0xaa: {  	[sflag:s12] =	ssyncset.done $0x0  }
0xab: {  	[sflag:s12] =	ssyncadd.s32 $0xFFFE7000  }
0xac: {  	_ =	swait.ge [sflag:s13], $0x320  }
0xad: {  	[sflag:s13] =	ssyncset.done $0x0  }
0xae: {  	[sflag:s13] =	ssyncadd.s32 $0xFFFFFCE0  }
0xaf: {  	[hbm4b:s22+s3] =	stream.linear.scatter [tilespmem:s10], [sflag:$0x3], $0x19000, $0x38;
	[tilespmem:$0x19A80] =	vst v63  }
0xb0: {  	_ =	swait.ge [sflag:s4], $0x19000  }
0xb1: {  	[sflag:s4] =	ssyncset.done $0x0  }
0xb2: {  	[sflag:s4] =	ssyncadd.s32 $0xFFFE7000  }
0xb3: {  	[hbm4b:s23+s3] =	stream.linear.scatter [tilespmem:s11], [sflag:$0x3], $0x320, $0x38;
	[tilespmem:$0x19A80] =	vst v63  }
0xb4: {  	_ =	swait.ge [sflag:s4], $0x320  }
0xb5: {  	[sflag:s4] =	ssyncset.done $0x0  }
0xb6: {  	[sflag:s4] =	ssyncadd.s32 $0xFFFFFCE0  }
0xb7: {  	[tilespmem:s3], [sflag:$0x3] =	stream.linear.gather [hbm4b:s24+s3], $0x320, $0x38;
	[tilespmem:$0x19A80] =	vst v63  }
0xb8: {  	_ =	swait.ge [sflag:s4], $0x320  }
0xb9: {  	[sflag:s4] =	ssyncset.done $0x0  }
0xba: {  	[sflag:s4] =	ssyncadd.s32 $0xFFFFFCE0  }
0xbb: {  	[tilespmem:s7], [sflag:$0x3] =	stream.linear.gather [hbm4b:s25+s3], $0x320, $0x38;
	[tilespmem:$0x19A80] =	vst v63  }
0xbc: {  	_ =	swait.ge [sflag:s4], $0x320  }
0xbd: {  	[sflag:s4] =	ssyncset.done $0x0  }
0xbe: {  	[sflag:s4] =	ssyncadd.s32 $0xFFFFFCE0  }
0xbf: {  	[tilespmem:s10], [sflag:$0x1] =	stream.indirect.gather [hbm4b:s8+s9], $0x80, s3, s9, $0xb8;
	[tilespmem:$0x19A80] =	vst v63  }
0xc0: {  	_ = 	snop  }
0xc1: {  	[tilespmem:s11], [sflag:$0x2] =	stream.indirect.gather [hbm4b:s2+s9], $0x1, s7, s9, $0xb8;
	[tilespmem:$0x19A80] =	vst v63  }
0xc2: {  	_ =	swait.ge [sflag:s12], $0x19000  }
0xc3: {  	[sflag:s12] =	ssyncset.done $0x0  }
0xc4: {  	[sflag:s12] =	ssyncadd.s32 $0xFFFE7000  }
0xc5: {  	_ =	swait.ge [sflag:s13], $0x320  }
0xc6: {  	[sflag:s13] =	ssyncset.done $0x0  }
0xc7: {  	[sflag:s13] =	ssyncadd.s32 $0xFFFFFCE0  }
0xc8: {  	[hbm4b:s26+s3] =	stream.linear.scatter [tilespmem:s10], [sflag:$0x3], $0x19000, $0x38;
	[tilespmem:$0x19A80] =	vst v63  }
0xc9: {  	_ =	swait.ge [sflag:s4], $0x19000  }
.Ltmp1:
0xca: {  	[sflag:s4] =	ssyncset.done $0x0;
	(pc) =	sbr.rel @p0 .LBB2_1-.Ltmp1, $4  }
0xcb: {  	[sflag:s4] =	ssyncadd.s32 $0xFFFE7000  }
0xcc: {  	[hbm4b:s28+s3] =	stream.linear.scatter [tilespmem:s11], [sflag:$0x3], $0x320, $0x38;
	[tilespmem:$0x19A80] =	vst v63  }
0xcd: {  	_ =	swait.ge [sflag:s4], $0x320  }
0xce: {  	[sflag:s4] =	ssyncset.done $0x0  }
.LBB2_2:
0xcf: {  	[sflag:s4] =	ssyncadd.s32 $0xFFFFFCE0  }
0xd0: {  	_ =	sfence.sel $0x180000  }
0xd1: {  	[bflag:$0x0] =	sbarrier.arrive $0xFFFF  }
0xd2: {  	_ =	strace $0x90000047  }
0xd3: {  	[bflag:$0x2] =	sbarrier.arrive $0xFFFF  }
0xd4: {  	p0 =	sne.s32 s0, $0x0;
	s0 =	rddreg [dreg:$0x3]  }
0xd5: {  	s0 =	sadd.s32 @!p0 $0x100000, s0  }
0xd6: {  	[sflag:s0] =	ssyncadd.tile.s32 @!p0 $0x1;
	_ =	shalt  }
.Lfunc_end2:
_tile_overlayer_lowered:
.L_overlay_start_2:
0xd7: {  	(tag) =	ssettag $0x2  }
0xd8: {  	s0 =	rddreg [dreg:$0x0];
	s2 =	stileid.u32  }
0xd9: {  	s1 =	rddreg [dreg:$0x1];
	p0 =	sne.s32 s2, $0x0  }
0xda: {  	s3 =	rddreg [dreg:$0x2];
	[bflag:$0x3] =	sbarrier.arrive $0xFFFF;
	s2 =	simm.s32 @!p0 $0x1C03  }
0xdb: {  	[timem:s3], [sflag:s2] =	dma.local @!p0 [hbm:s0], s1  }
0xdc: {  	s0 =	simm.s32 @!p0 $0x3  }
0xdd: {  	_ =	swait.ge @!p0 [sflag:s0], s1  }
0xde: {  	s1 =	ssub.s32 @!p0 $0x0, s1;
	[sflag:s0] =	ssyncset.done @!p0 $0x0  }
0xdf: {  	[sflag:s0] =	ssyncadd.s32 @!p0 s1  }
0xe0: {  	[bflag:$0x3] =	sbarrier.arrive $0xFFFF  }
0xe1: {  	_ =	shalt  }

</sc_bundles>
